<compile_context>
chip_gen: v7x
topology: tpu7x:2x2x1
jax: 0.10.2.dev20260603
libtpu: 0.0.44.dev20260713+nightly
codegen_flags: <defaults>
</compile_context>

<pallas_src>
import functools

import jax
import jax.numpy as jnp
from jax import lax
from jax.experimental import pallas as pl
from jax.experimental.pallas import tpu as pltpu
from jax.experimental.pallas import tpu_sc as plsc

_NC = 2
_NS = 16
_NW = _NC * _NS
_L = 16


def _round_up(v, m):
    return (v + m - 1) // m * m


def _make_proj_body(npad):
    def _proj_body(x_ref, we_ref, wg_ref, be_ref, p_ref):
        x = x_ref[...]
        n, d = x.shape
        w3 = jnp.concatenate(
            [we_ref[0:d, :], we_ref[d:2 * d, :], wg_ref[...]], axis=1
        )
        p = lax.dot_general(
            w3, x, (((0,), (1,)), ((), ())),
            preferred_element_type=jnp.float32,
        )
        bias = jnp.pad(be_ref[...][None, :], ((0, 2), (0, 0)))
        p_ref[...] = jnp.pad(p + bias, ((0, 0), (0, npad - n)))

    return _proj_body


def _make_soft_body(n, e):
    def _soft_body(dis_ref, g_ref, sp_ref, split_ref, bg_ref,
                   eam_ref, eas_ref, nm_ref, ns_ref, eamo_ref, easo_ref):
        eamo_ref[...] = eam_ref[0:e]
        easo_ref[...] = eas_ref[0:e]
        npad = dis_ref.shape[0]
        nb = split_ref.shape[0]
        dis = dis_ref[...]
        g = g_ref[...]
        s = sp_ref[0, :] + sp_ref[1, :]
        natt = dis * (s + g) + bg_ref[...]

        spl = split_ref[...]
        ib = lax.broadcasted_iota(jnp.int32, (nb, nb), 0)
        jb = lax.broadcasted_iota(jnp.int32, (nb, nb), 1)
        oincl = jnp.sum(jnp.where(jb <= ib, spl[None, :], 0), axis=1)
        oexcl = oincl - spl
        ii = lax.broadcasted_iota(jnp.int32, (nb, npad), 1)
        mask = (ii >= oexcl[:, None]) & (ii < oincl[:, None])

        def segsoft(v):
            m = jnp.max(jnp.where(mask, v[None, :], -jnp.inf), axis=1)
            mn = jnp.sum(jnp.where(mask, m[:, None], 0.0), axis=0)
            e = jnp.exp(v - mn)
            sb = jnp.sum(jnp.where(mask, e[None, :], 0.0), axis=1)
            sn = jnp.sum(jnp.where(mask, sb[:, None], 0.0), axis=0)
            return e / jnp.maximum(sn, 1e-16)

        nm = segsoft(natt)
        nm_ref[...] = nm[:n]
        ns_ref[...] = segsoft(1.0 - nm)[:n]

    return _soft_body


def _make_mega_kernel(ep, ew, npad):
    vecs = ew // _L
    nvec = npad // _L
    nsl = npad // _NS
    nslv = nsl // _L
    mesh = plsc.VectorSubcoreMesh(core_axis_name="c", subcore_axis_name="s")

    @functools.partial(
        pl.kernel,
        out_type=[
            jax.ShapeDtypeStruct((ep,), jnp.float32),
            jax.ShapeDtypeStruct((ep,), jnp.float32),
            jax.ShapeDtypeStruct((_NC, npad), jnp.float32),
            jax.ShapeDtypeStruct((npad,), jnp.float32),
            jax.ShapeDtypeStruct((npad,), jnp.float32),
        ],
        mesh=mesh,
        scratch_types=[
            pltpu.VMEM((ew,), jnp.int32),
            pltpu.VMEM((ew,), jnp.int32),
            pltpu.VMEM((ew,), jnp.int32),
            pltpu.VMEM((npad,), jnp.float32),
            pltpu.VMEM((npad,), jnp.float32),
            pltpu.VMEM((npad,), jnp.float32),
            pltpu.VMEM((ew,), jnp.float32),
            pltpu.VMEM((ew,), jnp.float32),
            pltpu.VMEM((ew,), jnp.float32),
            pltpu.VMEM((ew,), jnp.float32),
            pltpu.VMEM((npad,), jnp.float32),
            pltpu.VMEM((nsl,), jnp.float32),
            pltpu.VMEM((nsl,), jnp.float32),
            pltpu.VMEM((nsl,), jnp.float32),
            pltpu.VMEM_SHARED((npad,), jnp.float32),
            pltpu.VMEM_SHARED((npad,), jnp.float32),
            pltpu.VMEM_SHARED((npad,), jnp.float32),
            pltpu.SemaphoreType.DMA,
            pltpu.SemaphoreType.DMA,
            pltpu.SemaphoreType.DMA,
            pltpu.SemaphoreType.DMA,
            pltpu.SemaphoreType.DMA,
            pltpu.SemaphoreType.DMA,
            pltpu.SemaphoreType.DMA,
            pltpu.SemaphoreType.DMA,
            pltpu.SemaphoreType.DMA,
            pltpu.SemaphoreType.DMA,
            pltpu.SemaphoreType.DMA,
        ],
        compiler_params=pltpu.CompilerParams(needs_layout_passes=False),
    )
    def mk(ei_h, p3_h, eam_h, eas_h, sp_h, dis_h, g_h,
           row1_v, row2_v, col_v, a_v, b_v, g_v, m_v, s_v, val_v,
           one_v, zero_v, d_sl, h_sl, g_sl, acc_deg, acc_s, g_sh,
           sem_r1, sem_r2, sem_c, sem_a, sem_b, sem_h,
           sem_d1, sem_d2, sem_sc, sem_m, sem_s):
        c = lax.axis_index("c")
        s = lax.axis_index("s")
        w_own = 2 * s + c
        w_oth = 2 * s + 1 - c
        base_own = w_own * ew
        base_oth = w_oth * ew
        nbase = s * nsl
        dr1 = pltpu.async_copy(ei_h.at[0].at[pl.ds(base_own, ew)], row1_v, sem_r1)
        dr2 = pltpu.async_copy(ei_h.at[0].at[pl.ds(base_oth, ew)], row2_v, sem_r2)
        dc = pltpu.async_copy(ei_h.at[1].at[pl.ds(base_own, ew)], col_v, sem_c)
        da = pltpu.async_copy(p3_h.at[pl.ds(0, npad)], a_v, sem_a)
        db = pltpu.async_copy(p3_h.at[pl.ds(npad, npad)], b_v, sem_b)
        dh = pltpu.async_copy(p3_h.at[pl.ds(2 * npad + nbase, nsl)], h_sl, sem_h)
        ones = jnp.full((_L,), 1.0, jnp.float32)
        zeros = jnp.zeros((_L,), jnp.float32)

        @plsc.parallel_loop(0, vecs, unroll=8)
        def _(i):
            one_v[pl.ds(i * _L, _L)] = ones

        @pl.when(s == 0)
        def _():
            @plsc.parallel_loop(0, nvec, unroll=8)
            def _(i):
                zero_v[pl.ds(i * _L, _L)] = zeros

            pltpu.sync_copy(zero_v, acc_deg)
            pltpu.sync_copy(zero_v, acc_s)

        plsc.subcore_barrier()
        dr1.wait()
        dsc1 = pltpu.async_copy(one_v, acc_deg.at[row1_v], sem_d1, add=True)
        dr2.wait()
        dsc2 = pltpu.async_copy(one_v, acc_deg.at[row2_v], sem_d2, add=True)
        da.wait()
        db.wait()
        dc.wait()

        @plsc.parallel_loop(0, vecs, unroll=4)
        def _(i):
            sl = pl.ds(i * _L, _L)
            av = plsc.load_gather(a_v, [row1_v[sl]])
            bv = plsc.load_gather(b_v, [col_v[sl]])
            m = 1.0 / (1.0 + jnp.exp(-(av + bv)))
            m_v[sl] = m
            s_v[sl] = 1.0 - m

        dm = pltpu.async_copy(m_v, eam_h.at[pl.ds(base_own, ew)], sem_m)
        ds2 = pltpu.async_copy(s_v, eas_h.at[pl.ds(base_own, ew)], sem_s)
        dsc1.wait()
        dsc2.wait()
        plsc.subcore_barrier()
        pltpu.sync_copy(acc_deg.at[pl.ds(nbase, nsl)], d_sl)
        dh.wait()
        magic = jnp.full((_L,), 0x5F3759DF, jnp.int32)

        @plsc.parallel_loop(0, nslv, unroll=4)
        def _(i):
            sl = pl.ds(i * _L, _L)
            deg = d_sl[sl] + 1.0
            y = plsc.bitcast(
                magic - lax.shift_right_logical(plsc.bitcast(deg, jnp.int32), 1),
                jnp.float32,
            )
            hd = -0.5 * deg
            y = y * (1.5 + hd * y * y)
            y = y * (1.5 + hd * y * y)
            y = y * (1.5 + hd * y * y)
            d_sl[sl] = y
            g_sl[sl] = y * h_sl[sl]

        pltpu.sync_copy(g_sl, g_sh.at[pl.ds(nbase, nsl)])

        @pl.when(c == 0)
        def _():
            pltpu.sync_copy(d_sl, dis_h.at[pl.ds(nbase, nsl)])
            pltpu.sync_copy(g_sl, g_h.at[pl.ds(nbase, nsl)])

        plsc.subcore_barrier()
        pltpu.sync_copy(g_sh, g_v)

        @plsc.parallel_loop(0, vecs, unroll=4)
        def _(i):
            sl = pl.ds(i * _L, _L)
            val_v[sl] = plsc.load_gather(g_v, [row1_v[sl]])

        dscs = pltpu.async_copy(val_v, acc_s.at[col_v], sem_sc, add=True)
        dscs.wait()
        dm.wait()
        ds2.wait()
        plsc.subcore_barrier()

        @pl.when(s == 0)
        def _():
            pltpu.sync_copy(acc_s, sp_h.at[c])

    return mk


def kernel(x, edge_index, split_n, We, be, Wg, bg):
    n, d = x.shape
    e = edge_index.shape[1]
    npad = _round_up(n, _NS * 128)
    ew = _round_up(e, _NW * 128) // _NW
    ep = ew * _NW

    p3 = pl.pallas_call(
        _make_proj_body(npad),
        out_shape=jax.ShapeDtypeStruct((3, npad), jnp.float32),
    )(x, We, Wg, be)

    eip = jnp.pad(edge_index, ((0, 0), (0, ep - e)), constant_values=n)

    eam, eas, sp, dis, g = _make_mega_kernel(ep, ew, npad)(
        eip, p3.reshape(3 * npad)
    )

    nm, ns, eamo, easo = pl.pallas_call(
        _make_soft_body(n, e),
        out_shape=[
            jax.ShapeDtypeStruct((n,), jnp.float32),
            jax.ShapeDtypeStruct((n,), jnp.float32),
            jax.ShapeDtypeStruct((e,), jnp.float32),
            jax.ShapeDtypeStruct((e,), jnp.float32),
        ],
    )(dis, g, sp, split_n, bg, eam, eas)

    return (
        eamo.reshape(e, 1),
        easo.reshape(e, 1),
        nm.reshape(n, 1),
        ns.reshape(n, 1),
    )

# --- scband reference (transcript-rebuilt; emitter-appended) ---
"""Pipeline reference for scband-att-cov-65704409694828 (READ-ONLY COPY).

The authoritative reference and input builder live on the scoring server;
editing this copy changes nothing except your own understanding.
"""

import jax, jax.numpy as jnp
import numpy as np

N = 9870
E = 315840
D = 128
B = 141


def segment_softmax(vals, seg, num_segments):
    m = jax.ops.segment_max(vals, seg, num_segments=num_segments)
    m = jnp.where(jnp.isfinite(m), m, 0.0)
    e = jnp.exp(vals - m[seg])
    s = jax.ops.segment_sum(e, seg, num_segments=num_segments)
    return e / jnp.maximum(s[seg], 1e-16)


def setup_inputs(seed: int = 0):
    key = jax.random.key(seed)
    k1, k2, k3, k4 = jax.random.split(key, 4)
    x = jax.random.normal(k1, (N, D), dtype=jnp.float32)
    edge_index = jax.random.randint(k2, (2, E), 0, N, dtype=jnp.int32)
    split_n = jnp.arange(B, dtype=jnp.int32)  # sums to 9870 == N
    We = jax.random.normal(k3, (2 * D, 1), dtype=jnp.float32) * 0.05
    be = jnp.zeros((1,), dtype=jnp.float32)
    Wg = jax.random.normal(k4, (D, 1), dtype=jnp.float32) * 0.05
    bg = jnp.zeros((1,), dtype=jnp.float32)
    return {"x": x, "edge_index": edge_index, "split_n": split_n, "We": We, "be": be, "Wg": Wg, "bg": bg}


def reference(x, edge_index, split_n, We, be, Wg, bg):
    row, col = edge_index[0], edge_index[1]
    # edge attention MLP on concatenated endpoint features
    edge_rep = jnp.concatenate([x[row], x[col]], axis=-1)
    edge_att = jax.nn.sigmoid(edge_rep @ We + be)
    edge_att_m = edge_att
    edge_att_s = 1.0 - edge_att
    # GCNConv(in_channels -> 1) with self loops and symmetric norm
    n = x.shape[0]
    h = x @ Wg  # [N, 1]
    loop = jnp.arange(n, dtype=row.dtype)
    ei_row = jnp.concatenate([row, loop])
    ei_col = jnp.concatenate([col, loop])
    ew = jnp.ones((ei_row.shape[0],), dtype=x.dtype)
    deg = jax.ops.segment_sum(ew, ei_row, num_segments=n)
    safe_deg = jnp.where(deg > 0, deg, 1.0)
    dis = jnp.where(deg > 0, safe_deg ** -0.5, 0.0)
    norm = dis[ei_row] * ew * dis[ei_col]
    node_att = jax.ops.segment_sum(norm[:, None] * h[ei_row], ei_col, num_segments=n) + bg
    # lazy_soft: per-graph softmax along node dim, graphs defined by split_n
    nb = split_n.shape[0]
    seg = jnp.repeat(jnp.arange(nb, dtype=jnp.int32), split_n, total_repeat_length=n)
    node_att_m = segment_softmax(node_att, seg, nb)
    node_att_s = segment_softmax(1.0 - node_att_m, seg, nb)
    return (edge_att_m, edge_att_s, node_att_m, node_att_s)

if __name__ == "__main__":
    import jax
    _d = setup_inputs()
    print(jax.jit(kernel)(*tuple(_d.values())))

</pallas_src>

<mosaic_0001>
#map = affine_map<(d0, d1) -> (0, 0)>
#map1 = affine_map<(d0, d1) -> (0)>
module attributes {stable_mosaic.version = 14 : i64} {
  func.func @mk(%arg0: i32, %arg1: i32, %arg2: memref<2x319488xi32, #tpu.memory_space<hbm>>, %arg3: memref<30720xf32, #tpu.memory_space<hbm>>, %arg4: memref<319488xf32, #tpu.memory_space<hbm>>, %arg5: memref<319488xf32, #tpu.memory_space<hbm>>, %arg6: memref<2x10240xf32, #tpu.memory_space<hbm>>, %arg7: memref<10240xf32, #tpu.memory_space<hbm>>, %arg8: memref<10240xf32, #tpu.memory_space<hbm>>, %arg9: memref<9984xi32, #tpu.memory_space<vmem>>, %arg10: memref<9984xi32, #tpu.memory_space<vmem>>, %arg11: memref<9984xi32, #tpu.memory_space<vmem>>, %arg12: memref<10240xf32, #tpu.memory_space<vmem>>, %arg13: memref<10240xf32, #tpu.memory_space<vmem>>, %arg14: memref<10240xf32, #tpu.memory_space<vmem>>, %arg15: memref<9984xf32, #tpu.memory_space<vmem>>, %arg16: memref<9984xf32, #tpu.memory_space<vmem>>, %arg17: memref<9984xf32, #tpu.memory_space<vmem>>, %arg18: memref<9984xf32, #tpu.memory_space<vmem>>, %arg19: memref<10240xf32, #tpu.memory_space<vmem>>, %arg20: memref<640xf32, #tpu.memory_space<vmem>>, %arg21: memref<640xf32, #tpu.memory_space<vmem>>, %arg22: memref<640xf32, #tpu.memory_space<vmem>>, %arg23: memref<10240xf32, #tpu.memory_space<vmem_shared>>, %arg24: memref<10240xf32, #tpu.memory_space<vmem_shared>>, %arg25: memref<10240xf32, #tpu.memory_space<vmem_shared>>, %arg26: memref<!tpu.dma_semaphore, #tpu.memory_space<semaphore_mem>>, %arg27: memref<!tpu.dma_semaphore, #tpu.memory_space<semaphore_mem>>, %arg28: memref<!tpu.dma_semaphore, #tpu.memory_space<semaphore_mem>>, %arg29: memref<!tpu.dma_semaphore, #tpu.memory_space<semaphore_mem>>, %arg30: memref<!tpu.dma_semaphore, #tpu.memory_space<semaphore_mem>>, %arg31: memref<!tpu.dma_semaphore, #tpu.memory_space<semaphore_mem>>, %arg32: memref<!tpu.dma_semaphore, #tpu.memory_space<semaphore_mem>>, %arg33: memref<!tpu.dma_semaphore, #tpu.memory_space<semaphore_mem>>, %arg34: memref<!tpu.dma_semaphore, #tpu.memory_space<semaphore_mem>>, %arg35: memref<!tpu.dma_semaphore, #tpu.memory_space<semaphore_mem>>, %arg36: memref<!tpu.dma_semaphore, #tpu.memory_space<semaphore_mem>>) attributes {dimension_semantics = [#tpu.dimension_semantics<core_parallel>, #tpu.dimension_semantics<subcore_parallel>], iteration_bounds = array<i64: 2, 16>, scalar_prefetch = 0 : i64, scratch_operands = 28 : i64, tpu.core_type = #tpu.core_type<sc_vector_subcore>, window_params = [{transform_indices = #map}, {transform_indices = #map1}, {transform_indices = #map1}, {transform_indices = #map1}, {transform_indices = #map}, {transform_indices = #map1}, {transform_indices = #map1}]} {
    %mul3A = arith.constant 2 : i32
    %mul3A_0 = arith.muli %mul3A, %arg1 : i32
    %add3A = arith.addi %mul3A_0, %arg0 : i32
    %mul3A_1 = arith.constant 2 : i32
    %mul3A_2 = arith.muli %mul3A_1, %arg1 : i32
    %add3A_3 = arith.constant 1 : i32
    %add3A_4 = arith.addi %mul3A_2, %add3A_3 : i32
    %sub3A = arith.subi %add3A_4, %arg0 : i32
    %mul3A_5 = arith.constant 9984 : i32
    %mul3A_6 = arith.muli %add3A, %mul3A_5 : i32
    %mul3A_7 = arith.constant 9984 : i32
    %mul3A_8 = arith.muli %sub3A, %mul3A_7 : i32
    %mul3A_9 = arith.constant 640 : i32
    %mul3A_10 = arith.muli %arg1, %mul3A_9 : i32
    %dma_start3A = arith.constant 0 : i32
    %dma_start3A_11 = arith.constant 0 : i32
    %dma_start3A_12 = tpu.memref_slice %arg2[%dma_start3A, %dma_start3A_11] : memref<2x319488xi32, #tpu.memory_space<hbm>> -> memref<1x319488xi32, #tpu.memory_space<hbm>>
    %dma_start3A_13 = tpu.memref_squeeze %dma_start3A_12 : memref<1x319488xi32, #tpu.memory_space<hbm>> -> memref<319488xi32, #tpu.memory_space<hbm>>
    %dma_start3A_14 = tpu.memref_slice %dma_start3A_13[%mul3A_6] : memref<319488xi32, #tpu.memory_space<hbm>> -> memref<9984xi32, #tpu.memory_space<hbm>>
    %dma_start3A_15 = arith.constant 0 : i32
    %dma_start3A_16 = tpu.memref_slice %arg2[%dma_start3A, %dma_start3A_15] : memref<2x319488xi32, #tpu.memory_space<hbm>> -> memref<1x319488xi32, #tpu.memory_space<hbm>>
    %dma_start3A_17 = tpu.memref_squeeze %dma_start3A_16 : memref<1x319488xi32, #tpu.memory_space<hbm>> -> memref<319488xi32, #tpu.memory_space<hbm>>
    %dma_start3A_18 = tpu.memref_slice %dma_start3A_17[%mul3A_6] : memref<319488xi32, #tpu.memory_space<hbm>> -> memref<9984xi32, #tpu.memory_space<hbm>>
    tpu.enqueue_dma source(%dma_start3A_18 : memref<9984xi32, #tpu.memory_space<hbm>>) target(%arg9 : memref<9984xi32, #tpu.memory_space<vmem>>) target_semaphore(%arg26 : memref<!tpu.dma_semaphore, #tpu.memory_space<semaphore_mem>>)
    %dma_start3A_19 = arith.constant 0 : i32
    %dma_start3A_20 = arith.constant 0 : i32
    %dma_start3A_21 = tpu.memref_slice %arg2[%dma_start3A_19, %dma_start3A_20] : memref<2x319488xi32, #tpu.memory_space<hbm>> -> memref<1x319488xi32, #tpu.memory_space<hbm>>
    %dma_start3A_22 = tpu.memref_squeeze %dma_start3A_21 : memref<1x319488xi32, #tpu.memory_space<hbm>> -> memref<319488xi32, #tpu.memory_space<hbm>>
    %dma_start3A_23 = tpu.memref_slice %dma_start3A_22[%mul3A_8] : memref<319488xi32, #tpu.memory_space<hbm>> -> memref<9984xi32, #tpu.memory_space<hbm>>
    %dma_start3A_24 = arith.constant 0 : i32
    %dma_start3A_25 = tpu.memref_slice %arg2[%dma_start3A_19, %dma_start3A_24] : memref<2x319488xi32, #tpu.memory_space<hbm>> -> memref<1x319488xi32, #tpu.memory_space<hbm>>
    %dma_start3A_26 = tpu.memref_squeeze %dma_start3A_25 : memref<1x319488xi32, #tpu.memory_space<hbm>> -> memref<319488xi32, #tpu.memory_space<hbm>>
    %dma_start3A_27 = tpu.memref_slice %dma_start3A_26[%mul3A_8] : memref<319488xi32, #tpu.memory_space<hbm>> -> memref<9984xi32, #tpu.memory_space<hbm>>
    tpu.enqueue_dma source(%dma_start3A_27 : memref<9984xi32, #tpu.memory_space<hbm>>) target(%arg10 : memref<9984xi32, #tpu.memory_space<vmem>>) target_semaphore(%arg27 : memref<!tpu.dma_semaphore, #tpu.memory_space<semaphore_mem>>)
    %dma_start3A_28 = arith.constant 1 : i32
    %dma_start3A_29 = arith.constant 0 : i32
    %dma_start3A_30 = tpu.memref_slice %arg2[%dma_start3A_28, %dma_start3A_29] : memref<2x319488xi32, #tpu.memory_space<hbm>> -> memref<1x319488xi32, #tpu.memory_space<hbm>>
    %dma_start3A_31 = tpu.memref_squeeze %dma_start3A_30 : memref<1x319488xi32, #tpu.memory_space<hbm>> -> memref<319488xi32, #tpu.memory_space<hbm>>
    %dma_start3A_32 = tpu.memref_slice %dma_start3A_31[%mul3A_6] : memref<319488xi32, #tpu.memory_space<hbm>> -> memref<9984xi32, #tpu.memory_space<hbm>>
    %dma_start3A_33 = arith.constant 0 : i32
    %dma_start3A_34 = tpu.memref_slice %arg2[%dma_start3A_28, %dma_start3A_33] : memref<2x319488xi32, #tpu.memory_space<hbm>> -> memref<1x319488xi32, #tpu.memory_space<hbm>>
    %dma_start3A_35 = tpu.memref_squeeze %dma_start3A_34 : memref<1x319488xi32, #tpu.memory_space<hbm>> -> memref<319488xi32, #tpu.memory_space<hbm>>
    %dma_start3A_36 = tpu.memref_slice %dma_start3A_35[%mul3A_6] : memref<319488xi32, #tpu.memory_space<hbm>> -> memref<9984xi32, #tpu.memory_space<hbm>>
    tpu.enqueue_dma source(%dma_start3A_36 : memref<9984xi32, #tpu.memory_space<hbm>>) target(%arg11 : memref<9984xi32, #tpu.memory_space<vmem>>) target_semaphore(%arg28 : memref<!tpu.dma_semaphore, #tpu.memory_space<semaphore_mem>>)
    %dma_start3A_37 = arith.constant 0 : i32
    %dma_start3A_38 = tpu.memref_slice %arg3[%dma_start3A_37] : memref<30720xf32, #tpu.memory_space<hbm>> -> memref<10240xf32, #tpu.memory_space<hbm>>
    %dma_start3A_39 = arith.constant 0 : i32
    %dma_start3A_40 = tpu.memref_slice %arg3[%dma_start3A_39] : memref<30720xf32, #tpu.memory_space<hbm>> -> memref<10240xf32, #tpu.memory_space<hbm>>
    tpu.enqueue_dma source(%dma_start3A_40 : memref<10240xf32, #tpu.memory_space<hbm>>) target(%arg12 : memref<10240xf32, #tpu.memory_space<vmem>>) target_semaphore(%arg29 : memref<!tpu.dma_semaphore, #tpu.memory_space<semaphore_mem>>)
    %dma_start3A_41 = arith.constant 10240 : i32
    %dma_start3A_42 = tpu.memref_slice %arg3[%dma_start3A_41] : memref<30720xf32, #tpu.memory_space<hbm>> -> memref<10240xf32, #tpu.memory_space<hbm>>
    %dma_start3A_43 = arith.constant 10240 : i32
    %dma_start3A_44 = tpu.memref_slice %arg3[%dma_start3A_43] : memref<30720xf32, #tpu.memory_space<hbm>> -> memref<10240xf32, #tpu.memory_space<hbm>>
    tpu.enqueue_dma source(%dma_start3A_44 : memref<10240xf32, #tpu.memory_space<hbm>>) target(%arg13 : memref<10240xf32, #tpu.memory_space<vmem>>) target_semaphore(%arg30 : memref<!tpu.dma_semaphore, #tpu.memory_space<semaphore_mem>>)
    %add3A_45 = arith.constant 20480 : i32
    %add3A_46 = arith.addi %add3A_45, %mul3A_10 : i32
    %dma_start3A_47 = tpu.memref_slice %arg3[%add3A_46] : memref<30720xf32, #tpu.memory_space<hbm>> -> memref<640xf32, #tpu.memory_space<hbm>>
    %dma_start3A_48 = tpu.memref_slice %arg3[%add3A_46] : memref<30720xf32, #tpu.memory_space<hbm>> -> memref<640xf32, #tpu.memory_space<hbm>>
    tpu.enqueue_dma source(%dma_start3A_48 : memref<640xf32, #tpu.memory_space<hbm>>) target(%arg21 : memref<640xf32, #tpu.memory_space<vmem>>) target_semaphore(%arg31 : memref<!tpu.dma_semaphore, #tpu.memory_space<semaphore_mem>>)
    %broadcast_in_dim3A = arith.constant 1.000000e+00 : f32
    %broadcast_in_dim3A_49 = vector.broadcast %broadcast_in_dim3A : f32 to vector<16xf32>
    %broadcast_in_dim3A_50 = arith.constant 0.000000e+00 : f32
    %broadcast_in_dim3A_51 = vector.broadcast %broadcast_in_dim3A_50 : f32 to vector<16xf32>
    %parallel_loop3A = arith.constant 0 : i32
    %parallel_loop3A_52 = arith.constant 624 : i32
    %parallel_loop3A_53 = arith.constant 1 : i32
    scf.for %parallel_loop3A_136 = %parallel_loop3A to %parallel_loop3A_52 step %parallel_loop3A_53  : i32 {
      %parallel_loop3A_137 = arith.constant 16 : i32
      %parallel_loop3A_138 = arith.muli %parallel_loop3A_136, %parallel_loop3A_137 : i32
      %parallel_loop3A_139 = arith.index_cast %parallel_loop3A_138 : i32 to index
      %parallel_loop3A_140 = tpu.vector_load %arg18[%parallel_loop3A_139] {strides = array<i32>} : memref<9984xf32, #tpu.memory_space<vmem>>, vector<16xf32>,
      tpu.vector_store %arg18[%parallel_loop3A_139], %broadcast_in_dim3A_49 {strides = array<i32>} : memref<9984xf32, #tpu.memory_space<vmem>>, vector<16xf32>,
    } {sc.loop_unroll_factor = 8 : i64, sc.parallel_access}
    %eq3A = arith.constant 0 : i32
    %eq3A_54 = arith.cmpi eq, %arg1, %eq3A : i32
    %convert_element_type3A = arith.extui %eq3A_54 : i1 to i32
    %cond3A = arith.constant 0 : i32
    %cond3A_55 = arith.cmpi ne, %convert_element_type3A, %cond3A : i32
    scf.if %cond3A_55 {
      %parallel_loop3A_136 = arith.constant 0 : i32
      %parallel_loop3A_137 = arith.constant 640 : i32
      %parallel_loop3A_138 = arith.constant 1 : i32
      scf.for %parallel_loop3A_139 = %parallel_loop3A_136 to %parallel_loop3A_137 step %parallel_loop3A_138  : i32 {
        %parallel_loop3A_140 = arith.constant 16 : i32
        %parallel_loop3A_141 = arith.muli %parallel_loop3A_139, %parallel_loop3A_140 : i32
        %parallel_loop3A_142 = arith.index_cast %parallel_loop3A_141 : i32 to index
        %parallel_loop3A_143 = tpu.vector_load %arg19[%parallel_loop3A_142] {strides = array<i32>} : memref<10240xf32, #tpu.memory_space<vmem>>, vector<16xf32>,
        tpu.vector_store %arg19[%parallel_loop3A_142], %broadcast_in_dim3A_51 {strides = array<i32>} : memref<10240xf32, #tpu.memory_space<vmem>>, vector<16xf32>,
      } {sc.loop_unroll_factor = 8 : i64, sc.parallel_access}
      "tpu.region"() ({
        %run_scoped3A = tpu.sem_alloc : memref<!tpu.dma_semaphore, #tpu.memory_space<semaphore_mem>>
        tpu.enqueue_dma source(%arg19 : memref<10240xf32, #tpu.memory_space<vmem>>) target(%arg23 : memref<10240xf32, #tpu.memory_space<vmem_shared>>) target_semaphore(%run_scoped3A : memref<!tpu.dma_semaphore, #tpu.memory_space<semaphore_mem>>)
        tpu.wait_dma2 semaphore(%run_scoped3A : memref<!tpu.dma_semaphore, #tpu.memory_space<semaphore_mem>>) src(%arg19 : memref<10240xf32, #tpu.memory_space<vmem>>) dst(%arg23 : memref<10240xf32, #tpu.memory_space<vmem_shared>>)
        tpu.yield
      }) : () -> ()
      "tpu.region"() ({
        %run_scoped3A = tpu.sem_alloc : memref<!tpu.dma_semaphore, #tpu.memory_space<semaphore_mem>>
        tpu.enqueue_dma source(%arg19 : memref<10240xf32, #tpu.memory_space<vmem>>) target(%arg24 : memref<10240xf32, #tpu.memory_space<vmem_shared>>) target_semaphore(%run_scoped3A : memref<!tpu.dma_semaphore, #tpu.memory_space<semaphore_mem>>)
        tpu.wait_dma2 semaphore(%run_scoped3A : memref<!tpu.dma_semaphore, #tpu.memory_space<semaphore_mem>>) src(%arg19 : memref<10240xf32, #tpu.memory_space<vmem>>) dst(%arg24 : memref<10240xf32, #tpu.memory_space<vmem_shared>>)
        tpu.yield
      }) : () -> ()
    } else {
    }
    %barrier3A = arith.constant 0 : index
    tpu.barrier barrier_id(%barrier3A)
    %dma_wait3A = arith.constant 0 : i32
    %dma_wait3A_56 = arith.constant 0 : i32
    %dma_wait3A_57 = tpu.memref_slice %arg2[%dma_wait3A, %dma_wait3A_56] : memref<2x319488xi32, #tpu.memory_space<hbm>> -> memref<1x319488xi32, #tpu.memory_space<hbm>>
    %dma_wait3A_58 = tpu.memref_squeeze %dma_wait3A_57 : memref<1x319488xi32, #tpu.memory_space<hbm>> -> memref<319488xi32, #tpu.memory_space<hbm>>
    %dma_wait3A_59 = tpu.memref_slice %dma_wait3A_58[%mul3A_6] : memref<319488xi32, #tpu.memory_space<hbm>> -> memref<9984xi32, #tpu.memory_space<hbm>>
    %dma_wait3A_60 = arith.constant 0 : i32
    %dma_wait3A_61 = tpu.memref_slice %arg2[%dma_wait3A, %dma_wait3A_60] : memref<2x319488xi32, #tpu.memory_space<hbm>> -> memref<1x319488xi32, #tpu.memory_space<hbm>>
    %dma_wait3A_62 = tpu.memref_squeeze %dma_wait3A_61 : memref<1x319488xi32, #tpu.memory_space<hbm>> -> memref<319488xi32, #tpu.memory_space<hbm>>
    %dma_wait3A_63 = tpu.memref_slice %dma_wait3A_62[%mul3A_6] : memref<319488xi32, #tpu.memory_space<hbm>> -> memref<9984xi32, #tpu.memory_space<hbm>>
    tpu.wait_dma2 semaphore(%arg26 : memref<!tpu.dma_semaphore, #tpu.memory_space<semaphore_mem>>) src(%dma_wait3A_63 : memref<9984xi32, #tpu.memory_space<hbm>>) dst(%arg9 : memref<9984xi32, #tpu.memory_space<vmem>>)
    %dma_start3A_64 = arith.constant 0 : i32
    %dma_start3A_65 = tpu.memref_slice %arg23[%dma_start3A_64] : memref<10240xf32, #tpu.memory_space<vmem_shared>> -> memref<10240xf32, #tpu.memory_space<vmem_shared>>
    tpu.enqueue_indirect_dma source(%arg18 : memref<9984xf32, #tpu.memory_space<vmem>>) target(%dma_start3A_65 : memref<10240xf32, #tpu.memory_space<vmem_shared>>) offsets(%arg9 : memref<9984xi32, #tpu.memory_space<vmem>>) semaphore(%arg32 : memref<!tpu.dma_semaphore, #tpu.memory_space<semaphore_mem>>) {add = true}
    %dma_wait3A_66 = arith.constant 0 : i32
    %dma_wait3A_67 = arith.constant 0 : i32
    %dma_wait3A_68 = tpu.memref_slice %arg2[%dma_wait3A_66, %dma_wait3A_67] : memref<2x319488xi32, #tpu.memory_space<hbm>> -> memref<1x319488xi32, #tpu.memory_space<hbm>>
    %dma_wait3A_69 = tpu.memref_squeeze %dma_wait3A_68 : memref<1x319488xi32, #tpu.memory_space<hbm>> -> memref<319488xi32, #tpu.memory_space<hbm>>
    %dma_wait3A_70 = tpu.memref_slice %dma_wait3A_69[%mul3A_8] : memref<319488xi32, #tpu.memory_space<hbm>> -> memref<9984xi32, #tpu.memory_space<hbm>>
    %dma_wait3A_71 = arith.constant 0 : i32
    %dma_wait3A_72 = tpu.memref_slice %arg2[%dma_wait3A_66, %dma_wait3A_71] : memref<2x319488xi32, #tpu.memory_space<hbm>> -> memref<1x319488xi32, #tpu.memory_space<hbm>>
    %dma_wait3A_73 = tpu.memref_squeeze %dma_wait3A_72 : memref<1x319488xi32, #tpu.memory_space<hbm>> -> memref<319488xi32, #tpu.memory_space<hbm>>
    %dma_wait3A_74 = tpu.memref_slice %dma_wait3A_73[%mul3A_8] : memref<319488xi32, #tpu.memory_space<hbm>> -> memref<9984xi32, #tpu.memory_space<hbm>>
    tpu.wait_dma2 semaphore(%arg27 : memref<!tpu.dma_semaphore, #tpu.memory_space<semaphore_mem>>) src(%dma_wait3A_74 : memref<9984xi32, #tpu.memory_space<hbm>>) dst(%arg10 : memref<9984xi32, #tpu.memory_space<vmem>>)
    %dma_start3A_75 = arith.constant 0 : i32
    %dma_start3A_76 = tpu.memref_slice %arg23[%dma_start3A_75] : memref<10240xf32, #tpu.memory_space<vmem_shared>> -> memref<10240xf32, #tpu.memory_space<vmem_shared>>
    tpu.enqueue_indirect_dma source(%arg18 : memref<9984xf32, #tpu.memory_space<vmem>>) target(%dma_start3A_76 : memref<10240xf32, #tpu.memory_space<vmem_shared>>) offsets(%arg10 : memref<9984xi32, #tpu.memory_space<vmem>>) semaphore(%arg33 : memref<!tpu.dma_semaphore, #tpu.memory_space<semaphore_mem>>) {add = true}
    %dma_wait3A_77 = arith.constant 0 : i32
    %dma_wait3A_78 = tpu.memref_slice %arg3[%dma_wait3A_77] : memref<30720xf32, #tpu.memory_space<hbm>> -> memref<10240xf32, #tpu.memory_space<hbm>>
    %dma_wait3A_79 = arith.constant 0 : i32
    %dma_wait3A_80 = tpu.memref_slice %arg3[%dma_wait3A_79] : memref<30720xf32, #tpu.memory_space<hbm>> -> memref<10240xf32, #tpu.memory_space<hbm>>
    tpu.wait_dma2 semaphore(%arg29 : memref<!tpu.dma_semaphore, #tpu.memory_space<semaphore_mem>>) src(%dma_wait3A_80 : memref<10240xf32, #tpu.memory_space<hbm>>) dst(%arg12 : memref<10240xf32, #tpu.memory_space<vmem>>)
    %dma_wait3A_81 = arith.constant 10240 : i32
    %dma_wait3A_82 = tpu.memref_slice %arg3[%dma_wait3A_81] : memref<30720xf32, #tpu.memory_space<hbm>> -> memref<10240xf32, #tpu.memory_space<hbm>>
    %dma_wait3A_83 = arith.constant 10240 : i32
    %dma_wait3A_84 = tpu.memref_slice %arg3[%dma_wait3A_83] : memref<30720xf32, #tpu.memory_space<hbm>> -> memref<10240xf32, #tpu.memory_space<hbm>>
    tpu.wait_dma2 semaphore(%arg30 : memref<!tpu.dma_semaphore, #tpu.memory_space<semaphore_mem>>) src(%dma_wait3A_84 : memref<10240xf32, #tpu.memory_space<hbm>>) dst(%arg13 : memref<10240xf32, #tpu.memory_space<vmem>>)
    %dma_wait3A_85 = arith.constant 1 : i32
    %dma_wait3A_86 = arith.constant 0 : i32
    %dma_wait3A_87 = tpu.memref_slice %arg2[%dma_wait3A_85, %dma_wait3A_86] : memref<2x319488xi32, #tpu.memory_space<hbm>> -> memref<1x319488xi32, #tpu.memory_space<hbm>>
    %dma_wait3A_88 = tpu.memref_squeeze %dma_wait3A_87 : memref<1x319488xi32, #tpu.memory_space<hbm>> -> memref<319488xi32, #tpu.memory_space<hbm>>
    %dma_wait3A_89 = tpu.memref_slice %dma_wait3A_88[%mul3A_6] : memref<319488xi32, #tpu.memory_space<hbm>> -> memref<9984xi32, #tpu.memory_space<hbm>>
    %dma_wait3A_90 = arith.constant 0 : i32
    %dma_wait3A_91 = tpu.memref_slice %arg2[%dma_wait3A_85, %dma_wait3A_90] : memref<2x319488xi32, #tpu.memory_space<hbm>> -> memref<1x319488xi32, #tpu.memory_space<hbm>>
    %dma_wait3A_92 = tpu.memref_squeeze %dma_wait3A_91 : memref<1x319488xi32, #tpu.memory_space<hbm>> -> memref<319488xi32, #tpu.memory_space<hbm>>
    %dma_wait3A_93 = tpu.memref_slice %dma_wait3A_92[%mul3A_6] : memref<319488xi32, #tpu.memory_space<hbm>> -> memref<9984xi32, #tpu.memory_space<hbm>>
    tpu.wait_dma2 semaphore(%arg28 : memref<!tpu.dma_semaphore, #tpu.memory_space<semaphore_mem>>) src(%dma_wait3A_93 : memref<9984xi32, #tpu.memory_space<hbm>>) dst(%arg11 : memref<9984xi32, #tpu.memory_space<vmem>>)
    %parallel_loop3A_94 = arith.constant 0 : i32
    %parallel_loop3A_95 = arith.constant 624 : i32
    %parallel_loop3A_96 = arith.constant 1 : i32
    scf.for %parallel_loop3A_136 = %parallel_loop3A_94 to %parallel_loop3A_95 step %parallel_loop3A_96  : i32 {
      %parallel_loop3A_137 = arith.constant 16 : i32
      %parallel_loop3A_138 = arith.muli %parallel_loop3A_136, %parallel_loop3A_137 : i32
      %parallel_loop3A_139 = arith.index_cast %parallel_loop3A_138 : i32 to index
      %parallel_loop3A_140 = tpu.vector_load %arg9[%parallel_loop3A_139] {strides = array<i32>} : memref<9984xi32, #tpu.memory_space<vmem>>, vector<16xi32>,
      %parallel_loop3A_141 = tpu.vector_load_idx %arg12[%parallel_loop3A_140] : memref<10240xf32, #tpu.memory_space<vmem>>[vector<16xi32>], vector<16xf32>,
      %parallel_loop3A_142 = arith.index_cast %parallel_loop3A_138 : i32 to index
      %parallel_loop3A_143 = tpu.vector_load %arg11[%parallel_loop3A_142] {strides = array<i32>} : memref<9984xi32, #tpu.memory_space<vmem>>, vector<16xi32>,
      %parallel_loop3A_144 = tpu.vector_load_idx %arg13[%parallel_loop3A_143] : memref<10240xf32, #tpu.memory_space<vmem>>[vector<16xi32>], vector<16xf32>,
      %parallel_loop3A_145 = arith.addf %parallel_loop3A_141, %parallel_loop3A_144 : vector<16xf32>
      %parallel_loop3A_146 = arith.constant 0.000000e+00 : f32
      %parallel_loop3A_147 = vector.broadcast %parallel_loop3A_146 : f32 to vector<16xf32>
      %parallel_loop3A_148 = arith.subf %parallel_loop3A_147, %parallel_loop3A_145 : vector<16xf32>
      %parallel_loop3A_149 = math.exp %parallel_loop3A_148 : vector<16xf32>
      %parallel_loop3A_150 = arith.constant 1.000000e+00 : f32
      %parallel_loop3A_151 = vector.broadcast %parallel_loop3A_150 : f32 to vector<16xf32>
      %parallel_loop3A_152 = arith.addf %parallel_loop3A_151, %parallel_loop3A_149 : vector<16xf32>
      %parallel_loop3A_153 = arith.constant 1.000000e+00 : f32
      %parallel_loop3A_154 = vector.broadcast %parallel_loop3A_153 : f32 to vector<16xf32>
      %parallel_loop3A_155 = arith.divf %parallel_loop3A_154, %parallel_loop3A_152 : vector<16xf32>
      %parallel_loop3A_156 = arith.index_cast %parallel_loop3A_138 : i32 to index
      %parallel_loop3A_157 = tpu.vector_load %arg15[%parallel_loop3A_156] {strides = array<i32>} : memref<9984xf32, #tpu.memory_space<vmem>>, vector<16xf32>,
      tpu.vector_store %arg15[%parallel_loop3A_156], %parallel_loop3A_155 {strides = array<i32>} : memref<9984xf32, #tpu.memory_space<vmem>>, vector<16xf32>,
      %parallel_loop3A_158 = arith.constant 1.000000e+00 : f32
      %parallel_loop3A_159 = vector.broadcast %parallel_loop3A_158 : f32 to vector<16xf32>
      %parallel_loop3A_160 = arith.subf %parallel_loop3A_159, %parallel_loop3A_155 : vector<16xf32>
      %parallel_loop3A_161 = arith.index_cast %parallel_loop3A_138 : i32 to index
      %parallel_loop3A_162 = tpu.vector_load %arg16[%parallel_loop3A_161] {strides = array<i32>} : memref<9984xf32, #tpu.memory_space<vmem>>, vector<16xf32>,
      tpu.vector_store %arg16[%parallel_loop3A_161], %parallel_loop3A_160 {strides = array<i32>} : memref<9984xf32, #tpu.memory_space<vmem>>, vector<16xf32>,
    } {sc.loop_unroll_factor = 4 : i64, sc.parallel_access}
    %dma_start3A_97 = tpu.memref_slice %arg4[%mul3A_6] : memref<319488xf32, #tpu.memory_space<hbm>> -> memref<9984xf32, #tpu.memory_space<hbm>>
    %dma_start3A_98 = tpu.memref_slice %arg4[%mul3A_6] : memref<319488xf32, #tpu.memory_space<hbm>> -> memref<9984xf32, #tpu.memory_space<hbm>>
    tpu.enqueue_dma source(%arg15 : memref<9984xf32, #tpu.memory_space<vmem>>) target(%dma_start3A_98 : memref<9984xf32, #tpu.memory_space<hbm>>) target_semaphore(%arg35 : memref<!tpu.dma_semaphore, #tpu.memory_space<semaphore_mem>>)
    %dma_start3A_99 = tpu.memref_slice %arg5[%mul3A_6] : memref<319488xf32, #tpu.memory_space<hbm>> -> memref<9984xf32, #tpu.memory_space<hbm>>
    %dma_start3A_100 = tpu.memref_slice %arg5[%mul3A_6] : memref<319488xf32, #tpu.memory_space<hbm>> -> memref<9984xf32, #tpu.memory_space<hbm>>
    tpu.enqueue_dma source(%arg16 : memref<9984xf32, #tpu.memory_space<vmem>>) target(%dma_start3A_100 : memref<9984xf32, #tpu.memory_space<hbm>>) target_semaphore(%arg36 : memref<!tpu.dma_semaphore, #tpu.memory_space<semaphore_mem>>)
    %dma_wait3A_101 = arith.constant 0 : i32
    %dma_wait3A_102 = tpu.memref_slice %arg23[%dma_wait3A_101] : memref<10240xf32, #tpu.memory_space<vmem_shared>> -> memref<10240xf32, #tpu.memory_space<vmem_shared>>
    tpu.wait_indirect_dma semaphore(%arg32 : memref<!tpu.dma_semaphore, #tpu.memory_space<semaphore_mem>>) src(%arg18 : memref<9984xf32, #tpu.memory_space<vmem>>) dst(%dma_wait3A_102 : memref<10240xf32, #tpu.memory_space<vmem_shared>>)
    %dma_wait3A_103 = arith.constant 0 : i32
    %dma_wait3A_104 = tpu.memref_slice %arg23[%dma_wait3A_103] : memref<10240xf32, #tpu.memory_space<vmem_shared>> -> memref<10240xf32, #tpu.memory_space<vmem_shared>>
    tpu.wait_indirect_dma semaphore(%arg33 : memref<!tpu.dma_semaphore, #tpu.memory_space<semaphore_mem>>) src(%arg18 : memref<9984xf32, #tpu.memory_space<vmem>>) dst(%dma_wait3A_104 : memref<10240xf32, #tpu.memory_space<vmem_shared>>)
    %barrier3A_105 = arith.constant 0 : index
    tpu.barrier barrier_id(%barrier3A_105)
    "tpu.region"() ({
      %run_scoped3A = tpu.sem_alloc : memref<!tpu.dma_semaphore, #tpu.memory_space<semaphore_mem>>
      %dma_start3A_136 = tpu.memref_slice %arg23[%mul3A_10] : memref<10240xf32, #tpu.memory_space<vmem_shared>> -> memref<640xf32, #tpu.memory_space<vmem_shared>>
      %dma_start3A_137 = tpu.memref_slice %arg23[%mul3A_10] : memref<10240xf32, #tpu.memory_space<vmem_shared>> -> memref<640xf32, #tpu.memory_space<vmem_shared>>
      tpu.enqueue_dma source(%dma_start3A_137 : memref<640xf32, #tpu.memory_space<vmem_shared>>) target(%arg20 : memref<640xf32, #tpu.memory_space<vmem>>) target_semaphore(%run_scoped3A : memref<!tpu.dma_semaphore, #tpu.memory_space<semaphore_mem>>)
      %dma_wait3A_138 = tpu.memref_slice %arg23[%mul3A_10] : memref<10240xf32, #tpu.memory_space<vmem_shared>> -> memref<640xf32, #tpu.memory_space<vmem_shared>>
      %dma_wait3A_139 = tpu.memref_slice %arg23[%mul3A_10] : memref<10240xf32, #tpu.memory_space<vmem_shared>> -> memref<640xf32, #tpu.memory_space<vmem_shared>>
      tpu.wait_dma2 semaphore(%run_scoped3A : memref<!tpu.dma_semaphore, #tpu.memory_space<semaphore_mem>>) src(%dma_wait3A_139 : memref<640xf32, #tpu.memory_space<vmem_shared>>) dst(%arg20 : memref<640xf32, #tpu.memory_space<vmem>>)
      tpu.yield
    }) : () -> ()
    %dma_wait3A_106 = tpu.memref_slice %arg3[%add3A_46] : memref<30720xf32, #tpu.memory_space<hbm>> -> memref<640xf32, #tpu.memory_space<hbm>>
    %dma_wait3A_107 = tpu.memref_slice %arg3[%add3A_46] : memref<30720xf32, #tpu.memory_space<hbm>> -> memref<640xf32, #tpu.memory_space<hbm>>
    tpu.wait_dma2 semaphore(%arg31 : memref<!tpu.dma_semaphore, #tpu.memory_space<semaphore_mem>>) src(%dma_wait3A_107 : memref<640xf32, #tpu.memory_space<hbm>>) dst(%arg21 : memref<640xf32, #tpu.memory_space<vmem>>)
    %broadcast_in_dim3A_108 = arith.constant 1597463007 : i32
    %broadcast_in_dim3A_109 = vector.broadcast %broadcast_in_dim3A_108 : i32 to vector<16xi32>
    %parallel_loop3A_110 = arith.constant 0 : i32
    %parallel_loop3A_111 = arith.constant 40 : i32
    %parallel_loop3A_112 = arith.constant 1 : i32
    scf.for %parallel_loop3A_136 = %parallel_loop3A_110 to %parallel_loop3A_111 step %parallel_loop3A_112  : i32 {
      %parallel_loop3A_137 = arith.constant 16 : i32
      %parallel_loop3A_138 = arith.muli %parallel_loop3A_136, %parallel_loop3A_137 : i32
      %parallel_loop3A_139 = arith.index_cast %parallel_loop3A_138 : i32 to index
      %parallel_loop3A_140 = tpu.vector_load %arg20[%parallel_loop3A_139] {strides = array<i32>} : memref<640xf32, #tpu.memory_space<vmem>>, vector<16xf32>,
      %parallel_loop3A_141 = arith.constant 1.000000e+00 : f32
      %parallel_loop3A_142 = vector.broadcast %parallel_loop3A_141 : f32 to vector<16xf32>
      %parallel_loop3A_143 = arith.addf %parallel_loop3A_140, %parallel_loop3A_142 : vector<16xf32>
      %parallel_loop3A_144 = vector.bitcast %parallel_loop3A_143 : vector<16xf32> to vector<16xi32>
      %parallel_loop3A_145 = arith.constant 1 : i32
      %parallel_loop3A_146 = vector.broadcast %parallel_loop3A_145 : i32 to vector<16xi32>
      %parallel_loop3A_147 = arith.shrui %parallel_loop3A_144, %parallel_loop3A_146 : vector<16xi32>
      %parallel_loop3A_148 = arith.subi %broadcast_in_dim3A_109, %parallel_loop3A_147 : vector<16xi32>
      %parallel_loop3A_149 = vector.bitcast %parallel_loop3A_148 : vector<16xi32> to vector<16xf32>
      %parallel_loop3A_150 = arith.constant -5.000000e-01 : f32
      %parallel_loop3A_151 = vector.broadcast %parallel_loop3A_150 : f32 to vector<16xf32>
      %parallel_loop3A_152 = arith.mulf %parallel_loop3A_151, %parallel_loop3A_143 : vector<16xf32>
      %parallel_loop3A_153 = arith.mulf %parallel_loop3A_152, %parallel_loop3A_149 : vector<16xf32>
      %parallel_loop3A_154 = arith.mulf %parallel_loop3A_153, %parallel_loop3A_149 : vector<16xf32>
      %parallel_loop3A_155 = arith.constant 1.500000e+00 : f32
      %parallel_loop3A_156 = vector.broadcast %parallel_loop3A_155 : f32 to vector<16xf32>
      %parallel_loop3A_157 = arith.addf %parallel_loop3A_156, %parallel_loop3A_154 : vector<16xf32>
      %parallel_loop3A_158 = arith.mulf %parallel_loop3A_149, %parallel_loop3A_157 : vector<16xf32>
      %parallel_loop3A_159 = arith.mulf %parallel_loop3A_152, %parallel_loop3A_158 : vector<16xf32>
      %parallel_loop3A_160 = arith.mulf %parallel_loop3A_159, %parallel_loop3A_158 : vector<16xf32>
      %parallel_loop3A_161 = arith.constant 1.500000e+00 : f32
      %parallel_loop3A_162 = vector.broadcast %parallel_loop3A_161 : f32 to vector<16xf32>
      %parallel_loop3A_163 = arith.addf %parallel_loop3A_162, %parallel_loop3A_160 : vector<16xf32>
      %parallel_loop3A_164 = arith.mulf %parallel_loop3A_158, %parallel_loop3A_163 : vector<16xf32>
      %parallel_loop3A_165 = arith.mulf %parallel_loop3A_152, %parallel_loop3A_164 : vector<16xf32>
      %parallel_loop3A_166 = arith.mulf %parallel_loop3A_165, %parallel_loop3A_164 : vector<16xf32>
      %parallel_loop3A_167 = arith.constant 1.500000e+00 : f32
      %parallel_loop3A_168 = vector.broadcast %parallel_loop3A_167 : f32 to vector<16xf32>
      %parallel_loop3A_169 = arith.addf %parallel_loop3A_168, %parallel_loop3A_166 : vector<16xf32>
      %parallel_loop3A_170 = arith.mulf %parallel_loop3A_164, %parallel_loop3A_169 : vector<16xf32>
      %parallel_loop3A_171 = arith.index_cast %parallel_loop3A_138 : i32 to index
      %parallel_loop3A_172 = tpu.vector_load %arg20[%parallel_loop3A_171] {strides = array<i32>} : memref<640xf32, #tpu.memory_space<vmem>>, vector<16xf32>,
      tpu.vector_store %arg20[%parallel_loop3A_171], %parallel_loop3A_170 {strides = array<i32>} : memref<640xf32, #tpu.memory_space<vmem>>, vector<16xf32>,
      %parallel_loop3A_173 = arith.index_cast %parallel_loop3A_138 : i32 to index
      %parallel_loop3A_174 = tpu.vector_load %arg21[%parallel_loop3A_173] {strides = array<i32>} : memref<640xf32, #tpu.memory_space<vmem>>, vector<16xf32>,
      %parallel_loop3A_175 = arith.mulf %parallel_loop3A_170, %parallel_loop3A_174 : vector<16xf32>
      %parallel_loop3A_176 = arith.index_cast %parallel_loop3A_138 : i32 to index
      %parallel_loop3A_177 = tpu.vector_load %arg22[%parallel_loop3A_176] {strides = array<i32>} : memref<640xf32, #tpu.memory_space<vmem>>, vector<16xf32>,
      tpu.vector_store %arg22[%parallel_loop3A_176], %parallel_loop3A_175 {strides = array<i32>} : memref<640xf32, #tpu.memory_space<vmem>>, vector<16xf32>,
    } {sc.loop_unroll_factor = 4 : i64, sc.parallel_access}
    "tpu.region"() ({
      %run_scoped3A = tpu.sem_alloc : memref<!tpu.dma_semaphore, #tpu.memory_space<semaphore_mem>>
      %dma_start3A_136 = tpu.memref_slice %arg25[%mul3A_10] : memref<10240xf32, #tpu.memory_space<vmem_shared>> -> memref<640xf32, #tpu.memory_space<vmem_shared>>
      %dma_start3A_137 = tpu.memref_slice %arg25[%mul3A_10] : memref<10240xf32, #tpu.memory_space<vmem_shared>> -> memref<640xf32, #tpu.memory_space<vmem_shared>>
      tpu.enqueue_dma source(%arg22 : memref<640xf32, #tpu.memory_space<vmem>>) target(%dma_start3A_137 : memref<640xf32, #tpu.memory_space<vmem_shared>>) target_semaphore(%run_scoped3A : memref<!tpu.dma_semaphore, #tpu.memory_space<semaphore_mem>>)
      %dma_wait3A_138 = tpu.memref_slice %arg25[%mul3A_10] : memref<10240xf32, #tpu.memory_space<vmem_shared>> -> memref<640xf32, #tpu.memory_space<vmem_shared>>
      %dma_wait3A_139 = tpu.memref_slice %arg25[%mul3A_10] : memref<10240xf32, #tpu.memory_space<vmem_shared>> -> memref<640xf32, #tpu.memory_space<vmem_shared>>
      tpu.wait_dma2 semaphore(%run_scoped3A : memref<!tpu.dma_semaphore, #tpu.memory_space<semaphore_mem>>) src(%arg22 : memref<640xf32, #tpu.memory_space<vmem>>) dst(%dma_wait3A_139 : memref<640xf32, #tpu.memory_space<vmem_shared>>)
      tpu.yield
    }) : () -> ()
    %eq3A_113 = arith.constant 0 : i32
    %eq3A_114 = arith.cmpi eq, %arg0, %eq3A_113 : i32
    %convert_element_type3A_115 = arith.extui %eq3A_114 : i1 to i32
    %cond3A_116 = arith.constant 0 : i32
    %cond3A_117 = arith.cmpi ne, %convert_element_type3A_115, %cond3A_116 : i32
    scf.if %cond3A_117 {
      "tpu.region"() ({
        %run_scoped3A = tpu.sem_alloc : memref<!tpu.dma_semaphore, #tpu.memory_space<semaphore_mem>>
        %dma_start3A_136 = tpu.memref_slice %arg7[%mul3A_10] : memref<10240xf32, #tpu.memory_space<hbm>> -> memref<640xf32, #tpu.memory_space<hbm>>
        %dma_start3A_137 = tpu.memref_slice %arg7[%mul3A_10] : memref<10240xf32, #tpu.memory_space<hbm>> -> memref<640xf32, #tpu.memory_space<hbm>>
        tpu.enqueue_dma source(%arg20 : memref<640xf32, #tpu.memory_space<vmem>>) target(%dma_start3A_137 : memref<640xf32, #tpu.memory_space<hbm>>) target_semaphore(%run_scoped3A : memref<!tpu.dma_semaphore, #tpu.memory_space<semaphore_mem>>)
        %dma_wait3A_138 = tpu.memref_slice %arg7[%mul3A_10] : memref<10240xf32, #tpu.memory_space<hbm>> -> memref<640xf32, #tpu.memory_space<hbm>>
        %dma_wait3A_139 = tpu.memref_slice %arg7[%mul3A_10] : memref<10240xf32, #tpu.memory_space<hbm>> -> memref<640xf32, #tpu.memory_space<hbm>>
        tpu.wait_dma2 semaphore(%run_scoped3A : memref<!tpu.dma_semaphore, #tpu.memory_space<semaphore_mem>>) src(%arg20 : memref<640xf32, #tpu.memory_space<vmem>>) dst(%dma_wait3A_139 : memref<640xf32, #tpu.memory_space<hbm>>)
        tpu.yield
      }) : () -> ()
      "tpu.region"() ({
        %run_scoped3A = tpu.sem_alloc : memref<!tpu.dma_semaphore, #tpu.memory_space<semaphore_mem>>
        %dma_start3A_136 = tpu.memref_slice %arg8[%mul3A_10] : memref<10240xf32, #tpu.memory_space<hbm>> -> memref<640xf32, #tpu.memory_space<hbm>>
        %dma_start3A_137 = tpu.memref_slice %arg8[%mul3A_10] : memref<10240xf32, #tpu.memory_space<hbm>> -> memref<640xf32, #tpu.memory_space<hbm>>
        tpu.enqueue_dma source(%arg22 : memref<640xf32, #tpu.memory_space<vmem>>) target(%dma_start3A_137 : memref<640xf32, #tpu.memory_space<hbm>>) target_semaphore(%run_scoped3A : memref<!tpu.dma_semaphore, #tpu.memory_space<semaphore_mem>>)
        %dma_wait3A_138 = tpu.memref_slice %arg8[%mul3A_10] : memref<10240xf32, #tpu.memory_space<hbm>> -> memref<640xf32, #tpu.memory_space<hbm>>
        %dma_wait3A_139 = tpu.memref_slice %arg8[%mul3A_10] : memref<10240xf32, #tpu.memory_space<hbm>> -> memref<640xf32, #tpu.memory_space<hbm>>
        tpu.wait_dma2 semaphore(%run_scoped3A : memref<!tpu.dma_semaphore, #tpu.memory_space<semaphore_mem>>) src(%arg22 : memref<640xf32, #tpu.memory_space<vmem>>) dst(%dma_wait3A_139 : memref<640xf32, #tpu.memory_space<hbm>>)
        tpu.yield
      }) : () -> ()
    } else {
    }
    %barrier3A_118 = arith.constant 0 : index
    tpu.barrier barrier_id(%barrier3A_118)
    "tpu.region"() ({
      %run_scoped3A = tpu.sem_alloc : memref<!tpu.dma_semaphore, #tpu.memory_space<semaphore_mem>>
      tpu.enqueue_dma source(%arg25 : memref<10240xf32, #tpu.memory_space<vmem_shared>>) target(%arg14 : memref<10240xf32, #tpu.memory_space<vmem>>) target_semaphore(%run_scoped3A : memref<!tpu.dma_semaphore, #tpu.memory_space<semaphore_mem>>)
      tpu.wait_dma2 semaphore(%run_scoped3A : memref<!tpu.dma_semaphore, #tpu.memory_space<semaphore_mem>>) src(%arg25 : memref<10240xf32, #tpu.memory_space<vmem_shared>>) dst(%arg14 : memref<10240xf32, #tpu.memory_space<vmem>>)
      tpu.yield
    }) : () -> ()
    %parallel_loop3A_119 = arith.constant 0 : i32
    %parallel_loop3A_120 = arith.constant 624 : i32
    %parallel_loop3A_121 = arith.constant 1 : i32
    scf.for %parallel_loop3A_136 = %parallel_loop3A_119 to %parallel_loop3A_120 step %parallel_loop3A_121  : i32 {
      %parallel_loop3A_137 = arith.constant 16 : i32
      %parallel_loop3A_138 = arith.muli %parallel_loop3A_136, %parallel_loop3A_137 : i32
      %parallel_loop3A_139 = arith.index_cast %parallel_loop3A_138 : i32 to index
      %parallel_loop3A_140 = tpu.vector_load %arg9[%parallel_loop3A_139] {strides = array<i32>} : memref<9984xi32, #tpu.memory_space<vmem>>, vector<16xi32>,
      %parallel_loop3A_141 = tpu.vector_load_idx %arg14[%parallel_loop3A_140] : memref<10240xf32, #tpu.memory_space<vmem>>[vector<16xi32>], vector<16xf32>,
      %parallel_loop3A_142 = arith.index_cast %parallel_loop3A_138 : i32 to index
      %parallel_loop3A_143 = tpu.vector_load %arg17[%parallel_loop3A_142] {strides = array<i32>} : memref<9984xf32, #tpu.memory_space<vmem>>, vector<16xf32>,
      tpu.vector_store %arg17[%parallel_loop3A_142], %parallel_loop3A_141 {strides = array<i32>} : memref<9984xf32, #tpu.memory_space<vmem>>, vector<16xf32>,
    } {sc.loop_unroll_factor = 4 : i64, sc.parallel_access}
    %dma_start3A_122 = arith.constant 0 : i32
    %dma_start3A_123 = tpu.memref_slice %arg24[%dma_start3A_122] : memref<10240xf32, #tpu.memory_space<vmem_shared>> -> memref<10240xf32, #tpu.memory_space<vmem_shared>>
    tpu.enqueue_indirect_dma source(%arg17 : memref<9984xf32, #tpu.memory_space<vmem>>) target(%dma_start3A_123 : memref<10240xf32, #tpu.memory_space<vmem_shared>>) offsets(%arg11 : memref<9984xi32, #tpu.memory_space<vmem>>) semaphore(%arg34 : memref<!tpu.dma_semaphore, #tpu.memory_space<semaphore_mem>>) {add = true}
    %dma_wait3A_124 = arith.constant 0 : i32
    %dma_wait3A_125 = tpu.memref_slice %arg24[%dma_wait3A_124] : memref<10240xf32, #tpu.memory_space<vmem_shared>> -> memref<10240xf32, #tpu.memory_space<vmem_shared>>
    tpu.wait_indirect_dma semaphore(%arg34 : memref<!tpu.dma_semaphore, #tpu.memory_space<semaphore_mem>>) src(%arg17 : memref<9984xf32, #tpu.memory_space<vmem>>) dst(%dma_wait3A_125 : memref<10240xf32, #tpu.memory_space<vmem_shared>>)
    %dma_wait3A_126 = tpu.memref_slice %arg4[%mul3A_6] : memref<319488xf32, #tpu.memory_space<hbm>> -> memref<9984xf32, #tpu.memory_space<hbm>>
    %dma_wait3A_127 = tpu.memref_slice %arg4[%mul3A_6] : memref<319488xf32, #tpu.memory_space<hbm>> -> memref<9984xf32, #tpu.memory_space<hbm>>
    tpu.wait_dma2 semaphore(%arg35 : memref<!tpu.dma_semaphore, #tpu.memory_space<semaphore_mem>>) src(%arg15 : memref<9984xf32, #tpu.memory_space<vmem>>) dst(%dma_wait3A_127 : memref<9984xf32, #tpu.memory_space<hbm>>)
    %dma_wait3A_128 = tpu.memref_slice %arg5[%mul3A_6] : memref<319488xf32, #tpu.memory_space<hbm>> -> memref<9984xf32, #tpu.memory_space<hbm>>
    %dma_wait3A_129 = tpu.memref_slice %arg5[%mul3A_6] : memref<319488xf32, #tpu.memory_space<hbm>> -> memref<9984xf32, #tpu.memory_space<hbm>>
    tpu.wait_dma2 semaphore(%arg36 : memref<!tpu.dma_semaphore, #tpu.memory_space<semaphore_mem>>) src(%arg16 : memref<9984xf32, #tpu.memory_space<vmem>>) dst(%dma_wait3A_129 : memref<9984xf32, #tpu.memory_space<hbm>>)
    %barrier3A_130 = arith.constant 0 : index
    tpu.barrier barrier_id(%barrier3A_130)
    %eq3A_131 = arith.constant 0 : i32
    %eq3A_132 = arith.cmpi eq, %arg1, %eq3A_131 : i32
    %convert_element_type3A_133 = arith.extui %eq3A_132 : i1 to i32
    %cond3A_134 = arith.constant 0 : i32
    %cond3A_135 = arith.cmpi ne, %convert_element_type3A_133, %cond3A_134 : i32
    scf.if %cond3A_135 {
      "tpu.region"() ({
        %run_scoped3A = tpu.sem_alloc : memref<!tpu.dma_semaphore, #tpu.memory_space<semaphore_mem>>
        %dma_start3A_136 = arith.constant 0 : i32
        %dma_start3A_137 = tpu.memref_slice %arg6[%arg0, %dma_start3A_136] : memref<2x10240xf32, #tpu.memory_space<hbm>> -> memref<1x10240xf32, #tpu.memory_space<hbm>>
        %dma_start3A_138 = tpu.memref_squeeze %dma_start3A_137 : memref<1x10240xf32, #tpu.memory_space<hbm>> -> memref<10240xf32, #tpu.memory_space<hbm>>
        tpu.enqueue_dma source(%arg24 : memref<10240xf32, #tpu.memory_space<vmem_shared>>) target(%dma_start3A_138 : memref<10240xf32, #tpu.memory_space<hbm>>) target_semaphore(%run_scoped3A : memref<!tpu.dma_semaphore, #tpu.memory_space<semaphore_mem>>)
        %dma_wait3A_139 = arith.constant 0 : i32
        %dma_wait3A_140 = tpu.memref_slice %arg6[%arg0, %dma_wait3A_139] : memref<2x10240xf32, #tpu.memory_space<hbm>> -> memref<1x10240xf32, #tpu.memory_space<hbm>>
        %dma_wait3A_141 = tpu.memref_squeeze %dma_wait3A_140 : memref<1x10240xf32, #tpu.memory_space<hbm>> -> memref<10240xf32, #tpu.memory_space<hbm>>
        tpu.wait_dma2 semaphore(%run_scoped3A : memref<!tpu.dma_semaphore, #tpu.memory_space<semaphore_mem>>) src(%arg24 : memref<10240xf32, #tpu.memory_space<vmem_shared>>) dst(%dma_wait3A_141 : memref<10240xf32, #tpu.memory_space<hbm>>)
        tpu.yield
      }) : () -> ()
    } else {
    }
    return
  }
}

module attributes {stable_mosaic.version = 14 : i64} {
  func.func @_proj_body(%arg0: memref<9870x128xf32, #tpu.memory_space<vmem>>, %arg1: memref<256x1xf32, #tpu.memory_space<vmem>>, %arg2: memref<128x1xf32, #tpu.memory_space<vmem>>, %arg3: memref<1xf32, #tpu.memory_space<vmem>>, %arg4: memref<3x10240xf32, #tpu.memory_space<vmem>>) attributes {dimension_semantics = [], scalar_prefetch = 0 : i64, scratch_operands = 0 : i64, tpu.core_type = #tpu.core_type<tc>} {
    %get3A = arith.constant 0 : index
    %get3A_0 = arith.constant 0 : index
    %get3A_1 = vector.load %arg0[%get3A, %get3A_0] : memref<9870x128xf32, #tpu.memory_space<vmem>>, vector<9870x128xf32>
    %get3A_2 = arith.constant 0 : index
    %get3A_3 = arith.constant 0 : index
    %get3A_4 = vector.load %arg1[%get3A_2, %get3A_3] : memref<256x1xf32, #tpu.memory_space<vmem>>, vector<128x1xf32>
    %get3A_5 = arith.constant 128 : index
    %get3A_6 = arith.constant 0 : index
    %get3A_7 = vector.load %arg1[%get3A_5, %get3A_6] : memref<256x1xf32, #tpu.memory_space<vmem>>, vector<128x1xf32>
    %get3A_8 = arith.constant 0 : index
    %get3A_9 = arith.constant 0 : index
    %get3A_10 = vector.load %arg2[%get3A_8, %get3A_9] : memref<128x1xf32, #tpu.memory_space<vmem>>, vector<128x1xf32>
    %concatenate3A = tpu.concatenate %get3A_4, %get3A_7, %get3A_10 in 1 : vector<128x1xf32>, vector<128x1xf32>, vector<128x1xf32> -> vector<128x3xf32>
    %dot_general3A = arith.constant dense<0.000000e+00> : vector<3x9870xf32>
    %dot_general3A_11 = tpu.matmul %concatenate3A, %get3A_1, %dot_general3A {dimension_numbers = #tpu.dot_dimension_numbers<[0], [1], [1], [0], [0, 1, 1, 0], [], []>, transpose_lhs_hint = false} : vector<128x3xf32>, vector<9870x128xf32>, vector<3x9870xf32> -> vector<3x9870xf32>
    %get3A_12 = arith.constant 0 : index
    %get3A_13 = vector.load %arg3[%get3A_12] : memref<1xf32, #tpu.memory_space<vmem>>, vector<1xf32>
    %broadcast_in_dim3A = vector.shape_cast %get3A_13 : vector<1xf32> to vector<1x1xf32>
    %jit3A = arith.constant 0 : i32
    %convert_element_type3A = arith.sitofp %jit3A : i32 to f32
    %pad3A = vector.broadcast %convert_element_type3A : f32 to vector<2x1xf32>
    %pad3A_14 = tpu.concatenate %broadcast_in_dim3A, %pad3A in 0 : vector<1x1xf32>, vector<2x1xf32> -> vector<3x1xf32>
    %add3A = vector.broadcast %pad3A_14 : vector<3x1xf32> to vector<3x9870xf32>
    %add3A_15 = arith.addf %dot_general3A_11, %add3A : vector<3x9870xf32>
    %jit3A_16 = arith.constant 0 : i32
    %convert_element_type3A_17 = arith.sitofp %jit3A_16 : i32 to f32
    %pad3A_18 = vector.broadcast %convert_element_type3A_17 : f32 to vector<3x370xf32>
    %pad3A_19 = tpu.concatenate %add3A_15, %pad3A_18 in 1 : vector<3x9870xf32>, vector<3x370xf32> -> vector<3x10240xf32>
    %swap3A = arith.constant 0 : index
    %swap3A_20 = arith.constant 0 : index
    %swap3A_21 = vector.load %arg4[%swap3A, %swap3A_20] : memref<3x10240xf32, #tpu.memory_space<vmem>>, vector<3x10240xf32>
    tpu.vector_store %arg4[%swap3A, %swap3A_20], %pad3A_19 {strides = array<i32>} : memref<3x10240xf32, #tpu.memory_space<vmem>>, vector<3x10240xf32>,
    return
  }
}

module attributes {stable_mosaic.version = 14 : i64} {
  func.func @_soft_body(%arg0: memref<10240xf32, #tpu.memory_space<vmem>>, %arg1: memref<10240xf32, #tpu.memory_space<vmem>>, %arg2: memref<2x10240xf32, #tpu.memory_space<vmem>>, %arg3: memref<141xi32, #tpu.memory_space<vmem>>, %arg4: memref<1xf32, #tpu.memory_space<vmem>>, %arg5: memref<319488xf32, #tpu.memory_space<vmem>>, %arg6: memref<319488xf32, #tpu.memory_space<vmem>>, %arg7: memref<9870xf32, #tpu.memory_space<vmem>>, %arg8: memref<9870xf32, #tpu.memory_space<vmem>>, %arg9: memref<315840xf32, #tpu.memory_space<vmem>>, %arg10: memref<315840xf32, #tpu.memory_space<vmem>>) attributes {dimension_semantics = [], scalar_prefetch = 0 : i64, scratch_operands = 0 : i64, tpu.core_type = #tpu.core_type<tc>} {
    %get3A = arith.constant 0 : index
    %get3A_0 = vector.load %arg5[%get3A] : memref<319488xf32, #tpu.memory_space<vmem>>, vector<315840xf32>
    %swap3A = arith.constant 0 : index
    %swap3A_1 = vector.load %arg9[%swap3A] : memref<315840xf32, #tpu.memory_space<vmem>>, vector<315840xf32>
    tpu.vector_store %arg9[%swap3A], %get3A_0 {strides = array<i32>} : memref<315840xf32, #tpu.memory_space<vmem>>, vector<315840xf32>,
    %get3A_2 = arith.constant 0 : index
    %get3A_3 = vector.load %arg6[%get3A_2] : memref<319488xf32, #tpu.memory_space<vmem>>, vector<315840xf32>
    %swap3A_4 = arith.constant 0 : index
    %swap3A_5 = vector.load %arg10[%swap3A_4] : memref<315840xf32, #tpu.memory_space<vmem>>, vector<315840xf32>
    tpu.vector_store %arg10[%swap3A_4], %get3A_3 {strides = array<i32>} : memref<315840xf32, #tpu.memory_space<vmem>>, vector<315840xf32>,
    %get3A_6 = arith.constant 0 : index
    %get3A_7 = vector.load %arg0[%get3A_6] : memref<10240xf32, #tpu.memory_space<vmem>>, vector<10240xf32>
    %get3A_8 = arith.constant 0 : index
    %get3A_9 = vector.load %arg1[%get3A_8] : memref<10240xf32, #tpu.memory_space<vmem>>, vector<10240xf32>
    %get3A_10 = arith.constant 0 : index
    %get3A_11 = arith.constant 0 : index
    %get3A_12 = vector.load %arg2[%get3A_10, %get3A_11] : memref<2x10240xf32, #tpu.memory_space<vmem>>, vector<1x10240xf32>
    %get3A_13 = vector.shape_cast %get3A_12 : vector<1x10240xf32> to vector<10240xf32>
    %get3A_14 = arith.constant 1 : index
    %get3A_15 = arith.constant 0 : index
    %get3A_16 = vector.load %arg2[%get3A_14, %get3A_15] : memref<2x10240xf32, #tpu.memory_space<vmem>>, vector<1x10240xf32>
    %get3A_17 = vector.shape_cast %get3A_16 : vector<1x10240xf32> to vector<10240xf32>
    %add3A = arith.addf %get3A_13, %get3A_17 : vector<10240xf32>
    %add3A_18 = arith.addf %add3A, %get3A_9 : vector<10240xf32>
    %mul3A = arith.mulf %get3A_7, %add3A_18 : vector<10240xf32>
    %get3A_19 = arith.constant 0 : index
    %get3A_20 = vector.load %arg4[%get3A_19] : memref<1xf32, #tpu.memory_space<vmem>>, vector<1xf32>
    %add3A_21 = vector.broadcast %get3A_20 : vector<1xf32> to vector<10240xf32>
    %add3A_22 = arith.addf %mul3A, %add3A_21 : vector<10240xf32>
    %get3A_23 = arith.constant 0 : index
    %get3A_24 = vector.load %arg3[%get3A_23] : memref<141xi32, #tpu.memory_space<vmem>>, vector<141xi32>
    %iota3A = tpu.iota {dimensions = array<i32: 0>} : vector<141x141xi32>
    %iota3A_25 = tpu.iota {dimensions = array<i32: 1>} : vector<141x141xi32>
    %le3A = arith.cmpi sle, %iota3A_25, %iota3A : vector<141x141xi32>
    %broadcast_in_dim3A = vector.shape_cast %get3A_24 : vector<141xi32> to vector<1x141xi32>
    %jit3A = arith.constant 0 : i32
    %broadcast_in_dim3A_26 = vector.shape_cast %broadcast_in_dim3A : vector<1x141xi32> to vector<1x141xi32>
    %broadcast_in_dim3A_27 = vector.broadcast %broadcast_in_dim3A_26 : vector<1x141xi32> to vector<141x141xi32>
    %broadcast_in_dim3A_28 = vector.broadcast %jit3A : i32 to vector<141x141xi32>
    %select_n3A = arith.select %le3A, %broadcast_in_dim3A_27, %broadcast_in_dim3A_28 : vector<141x141xi1>, vector<141x141xi32>
    %reduce_sum3A = arith.constant dense<0> : vector<141xi32>
    %reduce_sum3A_29 = vector.multi_reduction <add>, %select_n3A, %reduce_sum3A [1] : vector<141x141xi32> to vector<141xi32>
    %sub3A = arith.subi %reduce_sum3A_29, %get3A_24 : vector<141xi32>
    %iota3A_30 = tpu.iota {dimensions = array<i32: 1>} : vector<141x10240xi32>
    %broadcast_in_dim3A_31 = vector.shape_cast %sub3A : vector<141xi32> to vector<141x1xi32>
    %ge3A = vector.broadcast %broadcast_in_dim3A_31 : vector<141x1xi32> to vector<141x10240xi32>
    %ge3A_32 = arith.cmpi sge, %iota3A_30, %ge3A : vector<141x10240xi32>
    %broadcast_in_dim3A_33 = vector.shape_cast %reduce_sum3A_29 : vector<141xi32> to vector<141x1xi32>
    %lt3A = vector.broadcast %broadcast_in_dim3A_33 : vector<141x1xi32> to vector<141x10240xi32>
    %lt3A_34 = arith.cmpi slt, %iota3A_30, %lt3A : vector<141x10240xi32>
    %and3A = arith.andi %ge3A_32, %lt3A_34 : vector<141x10240xi1>
    %broadcast_in_dim3A_35 = vector.shape_cast %add3A_22 : vector<10240xf32> to vector<1x10240xf32>
    %jit3A_36 = arith.constant 0xFF800000 : f32
    %broadcast_in_dim3A_37 = vector.shape_cast %broadcast_in_dim3A_35 : vector<1x10240xf32> to vector<1x10240xf32>
    %broadcast_in_dim3A_38 = vector.broadcast %broadcast_in_dim3A_37 : vector<1x10240xf32> to vector<141x10240xf32>
    %broadcast_in_dim3A_39 = vector.broadcast %jit3A_36 : f32 to vector<141x10240xf32>
    %select_n3A_40 = arith.select %and3A, %broadcast_in_dim3A_38, %broadcast_in_dim3A_39 : vector<141x10240xi1>, vector<141x10240xf32>
    %reduce_max3A = arith.constant dense<0xFF800000> : vector<141xf32>
    %reduce_max3A_41 = vector.multi_reduction <maximumf>, %select_n3A_40, %reduce_max3A [1] : vector<141x10240xf32> to vector<141xf32>
    %broadcast_in_dim3A_42 = vector.shape_cast %reduce_max3A_41 : vector<141xf32> to vector<141x1xf32>
    %jit3A_43 = arith.constant 0.000000e+00 : f32
    %broadcast_in_dim3A_44 = vector.shape_cast %broadcast_in_dim3A_42 : vector<141x1xf32> to vector<141x1xf32>
    %broadcast_in_dim3A_45 = vector.broadcast %broadcast_in_dim3A_44 : vector<141x1xf32> to vector<141x10240xf32>
    %broadcast_in_dim3A_46 = vector.broadcast %jit3A_43 : f32 to vector<141x10240xf32>
    %select_n3A_47 = arith.select %and3A, %broadcast_in_dim3A_45, %broadcast_in_dim3A_46 : vector<141x10240xi1>, vector<141x10240xf32>
    %reduce_sum3A_48 = arith.constant dense<0.000000e+00> : vector<10240xf32>
    %reduce_sum3A_49 = vector.multi_reduction <add>, %select_n3A_47, %reduce_sum3A_48 [0] : vector<141x10240xf32> to vector<10240xf32>
    %sub3A_50 = arith.subf %add3A_22, %reduce_sum3A_49 : vector<10240xf32>
    %exp3A = math.exp %sub3A_50 : vector<10240xf32>
    %broadcast_in_dim3A_51 = vector.shape_cast %exp3A : vector<10240xf32> to vector<1x10240xf32>
    %jit3A_52 = arith.constant 0.000000e+00 : f32
    %broadcast_in_dim3A_53 = vector.shape_cast %broadcast_in_dim3A_51 : vector<1x10240xf32> to vector<1x10240xf32>
    %broadcast_in_dim3A_54 = vector.broadcast %broadcast_in_dim3A_53 : vector<1x10240xf32> to vector<141x10240xf32>
    %broadcast_in_dim3A_55 = vector.broadcast %jit3A_52 : f32 to vector<141x10240xf32>
    %select_n3A_56 = arith.select %and3A, %broadcast_in_dim3A_54, %broadcast_in_dim3A_55 : vector<141x10240xi1>, vector<141x10240xf32>
    %reduce_sum3A_57 = arith.constant dense<0.000000e+00> : vector<141xf32>
    %reduce_sum3A_58 = vector.multi_reduction <add>, %select_n3A_56, %reduce_sum3A_57 [1] : vector<141x10240xf32> to vector<141xf32>
    %broadcast_in_dim3A_59 = vector.shape_cast %reduce_sum3A_58 : vector<141xf32> to vector<141x1xf32>
    %jit3A_60 = arith.constant 0.000000e+00 : f32
    %broadcast_in_dim3A_61 = vector.shape_cast %broadcast_in_dim3A_59 : vector<141x1xf32> to vector<141x1xf32>
    %broadcast_in_dim3A_62 = vector.broadcast %broadcast_in_dim3A_61 : vector<141x1xf32> to vector<141x10240xf32>
    %broadcast_in_dim3A_63 = vector.broadcast %jit3A_60 : f32 to vector<141x10240xf32>
    %select_n3A_64 = arith.select %and3A, %broadcast_in_dim3A_62, %broadcast_in_dim3A_63 : vector<141x10240xi1>, vector<141x10240xf32>
    %reduce_sum3A_65 = arith.constant dense<0.000000e+00> : vector<10240xf32>
    %reduce_sum3A_66 = vector.multi_reduction <add>, %select_n3A_64, %reduce_sum3A_65 [0] : vector<141x10240xf32> to vector<10240xf32>
    %max3A = arith.constant 1.000000e-16 : f32
    %max3A_67 = vector.broadcast %max3A : f32 to vector<10240xf32>
    %max3A_68 = arith.maximumf %reduce_sum3A_66, %max3A_67 : vector<10240xf32>
    %div3A = arith.divf %exp3A, %max3A_68 : vector<10240xf32>
    %slice3A = vector.extract_strided_slice %div3A {offsets = [0], sizes = [9870], strides = [1]} : vector<10240xf32> to vector<9870xf32>
    %swap3A_69 = arith.constant 0 : index
    %swap3A_70 = vector.load %arg7[%swap3A_69] : memref<9870xf32, #tpu.memory_space<vmem>>, vector<9870xf32>
    tpu.vector_store %arg7[%swap3A_69], %slice3A {strides = array<i32>} : memref<9870xf32, #tpu.memory_space<vmem>>, vector<9870xf32>,
    %sub3A_71 = arith.constant 1.000000e+00 : f32
    %sub3A_72 = vector.broadcast %sub3A_71 : f32 to vector<10240xf32>
    %sub3A_73 = arith.subf %sub3A_72, %div3A : vector<10240xf32>
    %broadcast_in_dim3A_74 = vector.shape_cast %sub3A_73 : vector<10240xf32> to vector<1x10240xf32>
    %jit3A_75 = arith.constant 0xFF800000 : f32
    %broadcast_in_dim3A_76 = vector.shape_cast %broadcast_in_dim3A_74 : vector<1x10240xf32> to vector<1x10240xf32>
    %broadcast_in_dim3A_77 = vector.broadcast %broadcast_in_dim3A_76 : vector<1x10240xf32> to vector<141x10240xf32>
    %broadcast_in_dim3A_78 = vector.broadcast %jit3A_75 : f32 to vector<141x10240xf32>
    %select_n3A_79 = arith.select %and3A, %broadcast_in_dim3A_77, %broadcast_in_dim3A_78 : vector<141x10240xi1>, vector<141x10240xf32>
    %reduce_max3A_80 = arith.constant dense<0xFF800000> : vector<141xf32>
    %reduce_max3A_81 = vector.multi_reduction <maximumf>, %select_n3A_79, %reduce_max3A_80 [1] : vector<141x10240xf32> to vector<141xf32>
    %broadcast_in_dim3A_82 = vector.shape_cast %reduce_max3A_81 : vector<141xf32> to vector<141x1xf32>
    %jit3A_83 = arith.constant 0.000000e+00 : f32
    %broadcast_in_dim3A_84 = vector.shape_cast %broadcast_in_dim3A_82 : vector<141x1xf32> to vector<141x1xf32>
    %broadcast_in_dim3A_85 = vector.broadcast %broadcast_in_dim3A_84 : vector<141x1xf32> to vector<141x10240xf32>
    %broadcast_in_dim3A_86 = vector.broadcast %jit3A_83 : f32 to vector<141x10240xf32>
    %select_n3A_87 = arith.select %and3A, %broadcast_in_dim3A_85, %broadcast_in_dim3A_86 : vector<141x10240xi1>, vector<141x10240xf32>
    %reduce_sum3A_88 = arith.constant dense<0.000000e+00> : vector<10240xf32>
    %reduce_sum3A_89 = vector.multi_reduction <add>, %select_n3A_87, %reduce_sum3A_88 [0] : vector<141x10240xf32> to vector<10240xf32>
    %sub3A_90 = arith.subf %sub3A_73, %reduce_sum3A_89 : vector<10240xf32>
    %exp3A_91 = math.exp %sub3A_90 : vector<10240xf32>
    %broadcast_in_dim3A_92 = vector.shape_cast %exp3A_91 : vector<10240xf32> to vector<1x10240xf32>
    %jit3A_93 = arith.constant 0.000000e+00 : f32
    %broadcast_in_dim3A_94 = vector.shape_cast %broadcast_in_dim3A_92 : vector<1x10240xf32> to vector<1x10240xf32>
    %broadcast_in_dim3A_95 = vector.broadcast %broadcast_in_dim3A_94 : vector<1x10240xf32> to vector<141x10240xf32>
    %broadcast_in_dim3A_96 = vector.broadcast %jit3A_93 : f32 to vector<141x10240xf32>
    %select_n3A_97 = arith.select %and3A, %broadcast_in_dim3A_95, %broadcast_in_dim3A_96 : vector<141x10240xi1>, vector<141x10240xf32>
    %reduce_sum3A_98 = arith.constant dense<0.000000e+00> : vector<141xf32>
    %reduce_sum3A_99 = vector.multi_reduction <add>, %select_n3A_97, %reduce_sum3A_98 [1] : vector<141x10240xf32> to vector<141xf32>
    %broadcast_in_dim3A_100 = vector.shape_cast %reduce_sum3A_99 : vector<141xf32> to vector<141x1xf32>
    %jit3A_101 = arith.constant 0.000000e+00 : f32
    %broadcast_in_dim3A_102 = vector.shape_cast %broadcast_in_dim3A_100 : vector<141x1xf32> to vector<141x1xf32>
    %broadcast_in_dim3A_103 = vector.broadcast %broadcast_in_dim3A_102 : vector<141x1xf32> to vector<141x10240xf32>
    %broadcast_in_dim3A_104 = vector.broadcast %jit3A_101 : f32 to vector<141x10240xf32>
    %select_n3A_105 = arith.select %and3A, %broadcast_in_dim3A_103, %broadcast_in_dim3A_104 : vector<141x10240xi1>, vector<141x10240xf32>
    %reduce_sum3A_106 = arith.constant dense<0.000000e+00> : vector<10240xf32>
    %reduce_sum3A_107 = vector.multi_reduction <add>, %select_n3A_105, %reduce_sum3A_106 [0] : vector<141x10240xf32> to vector<10240xf32>
    %max3A_108 = arith.constant 1.000000e-16 : f32
    %max3A_109 = vector.broadcast %max3A_108 : f32 to vector<10240xf32>
    %max3A_110 = arith.maximumf %reduce_sum3A_107, %max3A_109 : vector<10240xf32>
    %div3A_111 = arith.divf %exp3A_91, %max3A_110 : vector<10240xf32>
    %slice3A_112 = vector.extract_strided_slice %div3A_111 {offsets = [0], sizes = [9870], strides = [1]} : vector<10240xf32> to vector<9870xf32>
    %swap3A_113 = arith.constant 0 : index
    %swap3A_114 = vector.load %arg8[%swap3A_113] : memref<9870xf32, #tpu.memory_space<vmem>>, vector<9870xf32>
    tpu.vector_store %arg8[%swap3A_113], %slice3A_112 {strides = array<i32>} : memref<9870xf32, #tpu.memory_space<vmem>>, vector<9870xf32>,
    return
  }
}

</mosaic_0001>

<sc_bundles>
// kernel: kernel.5.cloned.1.call-start
scs
__scs_entry_jumppad:
0x0: {  	(pc) =	sbr.rel $0x88, $3  }
0x1: {  	(tag) =	ssettag $0x0;
	lr =	simm.s32 $0x1  }
0x2: {  	[smem:$0x3F9A] =	sst lr;
	_ =	strace $0xD0000000  }
0x3: {  	_ = 	snop  }
0x4: {  	_ = 	snop  }
0x5: {  	_ = 	snop  }
0x6: {  	_ = 	snop  }
0x7: {  	_ = 	snop  }
__scs_overlays_trampoline_lowered:
0x8: {  	[smem:$0x3FA9] =	sst s0  }
0x9: {  	[smem:$0x3FAA] =	sst s1  }
0xa: {  	[smem:$0x3FAB] =	sst s2  }
0xb: {  	[smem:$0x3FAC] =	sst s3  }
0xc: {  	[smem:$0x3FAD] =	sst s4  }
0xd: {  	[smem:$0x3FAE] =	sst s5  }
0xe: {  	[smem:$0x3FAF] =	sst s6  }
0xf: {  	[smem:$0x3FB0] =	sst s7  }
0x10: {  	[smem:$0x3FB1] =	sst s8  }
0x11: {  	[smem:$0x3FB2] =	sst s9;
	s0 =	simm.s32 @!p0 $0x0  }
0x12: {  	s1 =	sld [smem:$0x3F98];
	s0 =	simm.s32 @p0 $0x1  }
0x13: {  	[smem:$0x3FB3] =	sst s0;
	s0 =	simm.s32 @!p1 $0x0  }
0x14: {  	s2 =	sld [smem:$0x3F97];
	s0 =	simm.s32 @p1 $0x1  }
0x15: {  	[smem:$0x3FB4] =	sst s0;
	s0 =	simm.s32 @!p2 $0x0  }
0x16: {  	s3 =	sld [smem:$0x3FDB];
	s0 =	simm.s32 @p2 $0x1  }
0x17: {  	s4 =	simm.s32 $0x1BF5;
	[smem:$0x3FB6] =	sst s0  }
0x18: {  	s0 =	sld [smem:$0x3F99];
	_ =	swait.ge [sflag:s4], $0x0  }
0x19: {  	s7 =	sld [smem:$0x3F9A]  }
0x1a: {  	s8 =	sadd.s32 $0xFFFFE003, lr  }
0x1b: {  	s9 =	sadd.s32 $0xFFFFFEF7, lr;
	s5 =	simm.s32 $0xFFFFFFFF;
	p2 =	slt.u32 s8, $0xFFFFF086  }
0x1c: {  	p1 =	slt.u32 s9, $0xF7A;
	s5 =	simm.s32 @!p2 $0x0  }
0x1d: {  	s5 =	simm.s32 @p1 $0x1;
	p0 =	seq.s32 s7, s2  }
0x1e: {  	s7 =	smul.u32 @!p0 $0xF7A, s2;
	p2 =	seq.s32 @!p0 s5, $0x0  }
0x1f: {  	s9 =	smul.u32 $0xF7A, s1;
	s8 =	simm.s32 @!p0 $0x1BF5;
	p2 =	por !p2, p0  }
0x20: {  	[sflag:s8] =	ssyncset.s32 @!p0 $0xFFFFF086;
	s6 =	sadd.s32 @!p0 s3, s7;
	s7 =	simm.s32 @!p0 $0x108  }
0x21: {  	s3 =	sadd.s32 s3, s9;
	s6 =	sadd.s32 @!p0 $0x88, s6;
	s7 =	simm.s32 @p2 $0x1082  }
0x22: {  	[simem:s7], [sflag:s8] =	dma.local @!p0 [hbm:s6], $0xF7A  }
0x23: {  	s9 =	sor.u32 $0xD0000000, s2;
	s6 =	simm.s32 $0x108;
	_ =	swait.ge @!p0 [sflag:s8], $0x0  }
0x24: {  	s3 =	sadd.s32 $0x88, s3;
	s6 =	simm.s32 @!p1 $0x1082;
	[sflag:s4] =	ssyncset.s32 $0xFFFFF086  }
0x25: {  	[simem:s6], [sflag:s4] =	dma.local [hbm:s3], $0xF7A  }
0x26: {  	[smem:$0x3F9A] =	sst s1;
	(tag) =	ssettag s2;
	_ =	strace s9  }
0x27: {  	s1 =	sld [smem:$0x3FAA]  }
0x28: {  	s2 =	sld [smem:$0x3FAB]  }
0x29: {  	s4 =	sld [smem:$0x3FAD]  }
0x2a: {  	p0 =	seq.s32 s5, $0x0;
	s5 =	sld [smem:$0x3FAE]  }
0x2b: {  	s6 =	sld [smem:$0x3FAF]  }
0x2c: {  	s7 =	sld [smem:$0x3FB0]  }
0x2d: {  	s3 =	simm.s32 $0x108;
	s8 =	sld [smem:$0x3FB1]  }
0x2e: {  	s3 =	simm.s32 @!p0 $0x1082;
	s9 =	sld [smem:$0x3FB2]  }
0x2f: {  	lr =	sadd.s32 s0, s3;
	s0 =	sld [smem:$0x3FA9]  }
0x30: {  	s3 =	sld [smem:$0x3FAC]  }
0x31: {  	[smem:$0x3FB5] =	sst s10  }
0x32: {  	s10 =	sld [smem:$0x3FB3];
	_ =	sdelay $0x3  }
0x33: {  	p0 =	seq.s32 s10, $0x1;
	s10 =	sld [smem:$0x3FB5];
	_ =	sdelay $0x3  }
0x34: {  	[smem:$0x3FB5] =	sst s10  }
0x35: {  	s10 =	sld [smem:$0x3FB4];
	_ =	sdelay $0x3  }
0x36: {  	p1 =	seq.s32 s10, $0x1;
	s10 =	sld [smem:$0x3FB5];
	_ =	sdelay $0x3  }
0x37: {  	[smem:$0x3FB5] =	sst s10  }
0x38: {  	s10 =	sld [smem:$0x3FB6]  }
0x39: {  	_ = 	snop;
	(pc) =	sbr.ind lr, $3  }
0x3a: {  	_ = 	snop  }
0x3b: {  	_ = 	snop  }
0x3c: {  	p2 =	seq.s32 s10, $0x1;
	s10 =	sld [smem:$0x3FB5]  }
0x3d: {  	_ =	shalt  }
0x3e: {  	_ =	shalt  }
0x3f: {  	_ =	shalt  }
0x40: {  	_ =	shalt  }
0x41: {  	_ =	shalt  }
0x42: {  	_ =	shalt  }
0x43: {  	_ =	shalt  }
0x44: {  	_ =	shalt  }
0x45: {  	_ =	shalt  }
0x46: {  	_ =	shalt  }
0x47: {  	_ =	shalt  }
0x48: {  	_ =	shalt  }
0x49: {  	_ =	shalt  }
0x4a: {  	_ =	shalt  }
0x4b: {  	_ =	shalt  }
0x4c: {  	_ =	shalt  }
0x4d: {  	_ =	shalt  }
0x4e: {  	_ =	shalt  }
0x4f: {  	_ =	shalt  }
0x50: {  	_ =	shalt  }
0x51: {  	_ =	shalt  }
0x52: {  	_ =	shalt  }
0x53: {  	_ =	shalt  }
0x54: {  	_ =	shalt  }
0x55: {  	_ =	shalt  }
0x56: {  	_ =	shalt  }
0x57: {  	_ =	shalt  }
0x58: {  	_ =	shalt  }
0x59: {  	_ =	shalt  }
0x5a: {  	_ =	shalt  }
0x5b: {  	_ =	shalt  }
0x5c: {  	_ =	shalt  }
0x5d: {  	_ =	shalt  }
0x5e: {  	_ =	shalt  }
0x5f: {  	_ =	shalt  }
0x60: {  	_ =	shalt  }
0x61: {  	_ =	shalt  }
0x62: {  	_ =	shalt  }
0x63: {  	_ =	shalt  }
0x64: {  	_ =	shalt  }
0x65: {  	_ =	shalt  }
0x66: {  	_ =	shalt  }
0x67: {  	_ =	shalt  }
0x68: {  	_ =	shalt  }
0x69: {  	_ =	shalt  }
0x6a: {  	_ =	shalt  }
0x6b: {  	_ =	shalt  }
0x6c: {  	_ =	shalt  }
0x6d: {  	_ =	shalt  }
0x6e: {  	_ =	shalt  }
0x6f: {  	_ =	shalt  }
0x70: {  	_ =	shalt  }
0x71: {  	_ =	shalt  }
0x72: {  	_ =	shalt  }
0x73: {  	_ =	shalt  }
0x74: {  	_ =	shalt  }
0x75: {  	_ =	shalt  }
0x76: {  	_ =	shalt  }
0x77: {  	_ =	shalt  }
0x78: {  	_ =	shalt  }
0x79: {  	_ =	shalt  }
0x7a: {  	_ =	shalt  }
0x7b: {  	_ =	shalt  }
0x7c: {  	_ =	shalt  }
0x7d: {  	_ =	shalt  }
0x7e: {  	_ =	shalt  }
0x7f: {  	_ =	shalt  }
0x80: {  	_ =	shalt  }
0x81: {  	_ =	shalt  }
0x82: {  	_ =	shalt  }
0x83: {  	_ =	shalt  }
0x84: {  	_ =	shalt  }
0x85: {  	_ =	shalt  }
0x86: {  	_ =	shalt  }
0x87: {  	_ =	shalt  }
.Lfunc_end0:
.L_simem_size_0:
called_computation_lowered:
.L_overlay_start_0:
0x88: {  	s2 =	sld [smem:$0x3FD9]  }
0x89: {  	s3 =	sld [smem:$0x3FFE];
	_ =	sdelay $0x1  }
0x8a: {  	s1 =	srdreg.scid  }
0x8b: {  	s0 =	sand.u32 $0x1, s1  }
0x8c: {  	s14 =	sshll.u32 s0, $0xA;
	s2 =	sadd.s32 s3, s2  }
0x8d: {  	s2 =	sadd.s32 s2, s14  }
0x8e: {  	[smem:$0x3FC1] =	sst s2  }
0x8f: {  	_ = 	snop  }
0x90: {  	s2 =	sld [smem:$0x3FD0];
	_ =	sdelay $0x2  }
0x91: {  	s15 =	simm.s32 $0xA;
	s4 =	simm.s32 $0x10  }
0x92: {  	[smem:s4], [sflag:s15] =	dma.local [hbm:s2], $0x1  }
0x93: {  	_ =	swait.eq [sflag:s15], $0x1  }
0x94: {  	[sflag:s15] =	ssyncset.done $0x0  }
0x95: {  	s16 =	sld [smem:$0x10];
	[sflag:s15] =	ssyncadd.s32 $0xFFFFFFFF  }
0x96: {  	s17 =	sld [smem:$0x11];
	(tm) =	ssettm $0x1  }
0x97: {  	s18 =	sld [smem:$0x3FFB];
	_ =	sdelay $0x3  }
0x98: {  	_ =	strace s18  }
0x99: {  	s4 =	sld [smem:$0x3FFC];
	_ =	sdelay $0x3  }
0x9a: {  	_ =	strace s4  }
0x9b: {  	s4 =	sld [smem:$0x3FFD];
	_ =	sdelay $0x3  }
0x9c: {  	_ =	strace s4  }
0x9d: {  	_ =	strace $0x8FFFFFFF  }
0x9e: {  	s19 =	sld [smem:$0x3FDB];
	_ =	sdelay $0x1  }
0x9f: {  	s5 =	simm.s32 $_scs_section_size  }
0xa0: {  	s6 =	simm.s32 $_size__tile_overlayer_lowered;
	s7 =	simm.s32 $_tile_overlayer_lowered  }
0xa1: {  	s22 =	simm.s32 $0x1BFF;
	s21 =	sshll.u32 s7, $0x1;
	s4 =	sadd.s32 s5, s19  }
0xa2: {  	s8 =	simm.s32 $0x0;
	s20 =	sshll.u32 s6, $0x1;
	s6 =	sadd.s32 s21, s4  }
0xa3: {  	[timem:s8], [sflag:s22] =	dma.local [hbm:s6], s20  }
0xa4: {  	_ =	swait.ge [sflag:s22], s20  }
0xa5: {  	s5 =	ssub.s32 $0x0, s20;
	[sflag:s22] =	ssyncset.done $0x0  }
0xa6: {  	[sflag:s22] =	ssyncadd.s32 s5;
	_ =	sdelay $0x1  }
0xa7: {  	s23 =	simm.s32 $0x1B8B  }
0xa8: {  	_ =	swait.ge [sflag:s23], $0x1  }
0xa9: {  	[sflag:s23] =	ssyncset.done $0x0  }
0xaa: {  	s25 =	simm.s32 $0x1B8E;
	s24 =	sld [smem:$0x3FFE];
	[sflag:s23] =	ssyncadd.s32 $0xFFFFFFFF  }
0xab: {  	s26 =	simm.s32 $execute0_lowered;
	[smem:$0x3FD2] =	sst s25  }
0xac: {  	s6 =	sshll.u32 s26, $0x1;
	_ =	strace $0x80000046;
	[dreg:$0x1] =	wrdreg $0xFFFFFFFF  }
0xad: {  	s28 =	simm.s32 $_size_execute0_lowered;
	s4 =	sadd.s32 s4, s6;
	[dreg:$0x0] =	wrdreg $0x0  }
0xae: {  	s6 =	sshll.u32 s28, $0x1;
	[dreg:$0x2] =	wrdreg s4  }
0xaf: {  	[dreg:$0x3] =	wrdreg s6  }
0xb0: {  	[dreg:$0x4] =	wrdreg $0xC0  }
0xb1: {  	_ =	task [dreg:s8], $0x5FFFF  }
0xb2: {  	[dreg:$0x1] =	wrdreg $0xFFFFFFFF  }
0xb3: {  	[dreg:$0x0] =	wrdreg $0x60  }
0xb4: {  	[dreg:$0x2] =	wrdreg s24  }
0xb5: {  	[dreg:$0x3] =	wrdreg s17  }
0xb6: {  	[dreg:$0x4] =	wrdreg s16  }
0xb7: {  	[dreg:$0x5] =	wrdreg $0x1B8800  }
0xb8: {  	[dreg:$0x6] =	wrdreg $0x1BB000  }
0xb9: {  	[dreg:$0x7] =	wrdreg $0x1BD800  }
0xba: {  	[dreg:$0x8] =	wrdreg $0x9  }
0xbb: {  	_ =	task.clear_ibuf [dreg:s8], $0x9FFFF;
	_ =	strace $0x90000046  }
0xbc: {  	s29 =	simm.s32 $0x9;
	_ =	strace $0x80000048  }
0xbd: {  	_ =	swait.ge [sflag:s29], $0x1  }
0xbe: {  	[sflag:s29] =	ssyncadd.s32 $0xFFFFFFFF  }
0xbf: {  	_ =	strace $0x90000048  }
0xc0: {  	_ =	sfence  }
0xc1: {  	s30 =	sld [smem:$0x0];
	_ =	sdelay $0x2  }
0xc2: {  	s31 =	sshll.u32 s1, $0xD;
	s1 =	sshrl.u32 s1, $0x2  }
0xc3: {  	s3 =	sand.u32 $0x4000, s31;
	s1 =	sadd.s32 s1, s30  }
0xc4: {  	s0 =	sor.u32 s3, s0;
	s1 =	sshll.u32 s1, $0x11  }
0xc5: {  	s0 =	sor.u32 s1, s0  }
0xc6: {  	s0 =	sadd.s32 $0x8F2B, s0  }
0xc7: {  	[sflag:s0] =	ssyncadd.remote.s32 $0x1  }
0xc8: {  	_ =	sfence.sel $0xFFFF  }
0xc9: {  	[dreg:$0x0] =	wrdreg $0xFFFFFFFF;
	(pc) =	sbr.abs _section_cstart, $3  }
0xca: {  	[dreg:$0x1] =	wrdreg $0xFFFFFFFF  }
0xcb: {  	_ =	task.clear_ibuf [dreg:s8], $0x2FFFF;
	_ =	strace $0x9FFFFFFF  }
0xcc: {  	(tm) =	ssettm $0x7FFFFFFF  }
0xcd: {  	_ =	shalt  }
tec
execute0_lowered:
.L_overlay_start_1:
0x0: {  	(tag) =	ssettag $0x1  }
0x1: {  	s0 =	rddreg [dreg:$0x0]  }
0x2: {  	s13 =	rddreg [dreg:$0x1]  }
0x3: {  	s1 =	rddreg [dreg:$0x2]  }
0x4: {  	s14 =	rddreg [dreg:$0x3]  }
0x5: {  	s2 =	srdreg.scid;
	s3 =	stileid.u32  }
0x6: {  	s15 =	rddreg [dreg:$0x5];
	s5 =	simm.s32 $0x0;
	s28 =	simm.s32 $0xC  }
0x7: {  	s31 =	simm.s32 $0x2;
	s2 =	sand.u32 $0x1, s2;
	s4 =	sshll.u32 s3, $0x1  }
0x8: {  	[smem:$0x7FF] =	sst s5;
	s7 =	sadd.s32 $0x1A00, s0;
	s8 =	smul.u32 $0x280, s3  }
0x9: {  	s20 =	sadd.s32 $0x500, s13;
	p0 =	sne.s32 s3, $0x0;
	s3 =	simm.s32 $0x4  }
0xa: {  	s4 =	sor.u32 s2, s4;
	_ =	strace $0x80000047;
	s9 =	ssub.s32 $0x2, s2  }
0xb: {  	[dreg:$0xa] =	wrdreg s20;
	s26 =	sshll.u32 s2, $0x4;
	s6 =	smul.u32 $0x4E0, s4  }
0xc: {  	p1 =	sne.s32 s2, $0x0;
	s10 =	sxor.u32 $0x1, s4;
	s4 =	smul.u32 $0x9C0, s4  }
0xd: {  	s11 =	sshrl.u32 s8, $0x3;
	s12 =	sshrl.u32 s9, $0x1;
	s23 =	sadd.s32 s8, s14  }
0xe: {  	s24 =	sadd.s32 s8, s15;
	s29 =	sadd.s32 s1, s26;
	s15 =	simm.s32 $0x4E00  }
0xf: {  	s26 =	simm.s32 $0x5;
	s8 =	simm.s32 $0x9;
	[dreg:$0xe] =	wrdreg s23  }
0x10: {  	s10 =	smul.u32 $0x9C0, s10;
	s9 =	ssub.s32 s9, s12;
	[dreg:$0xf] =	wrdreg s24  }
0x11: {  	s18 =	sadd.s32 s13, s11;
	[dreg:$0x12] =	wrdreg s29;
	s16 =	sadd.s32 s7, s4  }
0x12: {  	s23 =	simm.s32 $0x7500;
	s4 =	sadd.s32 $0xA00, s18;
	[dreg:$0x7] =	wrdreg s16  }
0x13: {  	s24 =	simm.s32 $0x9D00;
	s30 =	smax.u32 s9, $0x1;
	[dreg:$0xb] =	wrdreg s4  }
0x14: {  	s6 =	sadd.s32 s6, s0;
	s17 =	sadd.s32 s7, s10;
	[dreg:$0x13] =	wrdreg s30  }
0x15: {  	s0 =	sadd.s32 s11, s0;
	s19 =	sadd.s32 $0x10, s16;
	[dreg:$0x8] =	wrdreg s17  }
0x16: {  	s9 =	simm.s32 $0xA;
	s21 =	sadd.s32 $0x15200, s6;
	[dreg:$0x9] =	wrdreg s19  }
0x17: {  	s11 =	simm.s32 $0x0;
	s22 =	sadd.s32 $0x1EE00, s6;
	[dreg:$0xc] =	wrdreg s21  }
0x18: {  	s25 =	sadd.s32 $0x28A00, s0;
	s0 =	sadd.s32 $0x29000, s0;
	[dreg:$0xd] =	wrdreg s22  }
0x19: {  	s4 =	simm.s32 $0x3;
	s7 =	simm.s32 $0x6;
	[dreg:$0x10] =	wrdreg s25  }
0x1a: {  	s10 =	simm.s32 $0xB;
	[dreg:$0x11] =	wrdreg s0;
	s21 =	simm.s32 $0x2700  }
0x1b: {  	v0 =	vimm.f32 $1.000000000e+00;
	v1 =	vimm.f32 $0.0e+00;
	s25 =	simm.s32 $0x7;
	s0 =	simm.s32 $0x8;
	s22 =	simm.s32 $0xC500  }
.LBB2_1:
0x1c: {  	s1 =	rddreg [dreg:$0x7];
	s2 =	simm.s32 $0x80;
	s6 =	simm.s32 $0x100  }
0x1d: {  	[tilespmem:s5], [sflag:$0x1] =	stream.strided.gather [hbm4b:s1+s2], $0x2700, s6, s2, $0x38;
	[tilespmem:$0x1C000] =	vst v63  }
0x1e: {  	s17 =	rddreg [dreg:$0x8]  }
0x1f: {  	[tilespmem:s21], [sflag:$0x2] =	stream.strided.gather [hbm4b:s17+s2], $0x2700, s6, s2, $0x38;
	[tilespmem:$0x1C000] =	vst v63  }
0x20: {  	s18 =	rddreg [dreg:$0x9]  }
0x21: {  	[tilespmem:s15], [sflag:$0x3] =	stream.strided.gather [hbm4b:s18+s2], $0x2700, s6, s2, $0x38;
	[tilespmem:$0x1C000] =	vst v63  }
0x22: {  	s19 =	rddreg [dreg:$0x1]  }
0x23: {  	[tilespmem:s23], [sflag:$0x4] =	stream.linear.gather [hbm4b:s19+s5], $0x2800, $0x38;
	[tilespmem:$0x1C000] =	vst v63  }
0x24: {  	s20 =	rddreg [dreg:$0xa]  }
0x25: {  	[tilespmem:s24], [sflag:$0x5] =	stream.linear.gather [hbm4b:s20+s5], $0x2800, $0x38;
	[tilespmem:$0x1C000] =	vst v63  }
0x26: {  	s29 =	rddreg [dreg:$0xb];
	s30 =	simm.s32 $0x1B380;
	s1 =	simm.s32 $0x16240  }
0x27: {  	[tilespmem:s30], [sflag:$0x6] =	stream.linear.gather [hbm4b:s29+s5], $0x280, $0x38;
	[tilespmem:$0x1C000] =	vst v63  }
0x28: {  	[tilespmem:s1+$0xFFFFFFC0] =	vst v0  }
0x29: {  	[tilespmem:s1+$0x30] =	vst v0  }
0x2a: {  	[tilespmem:s1+$0x20] =	vst v0  }
0x2b: {  	[tilespmem:s1+$0x10] =	vst v0  }
0x2c: {  	[tilespmem:s1+$0x0] =	vst v0  }
0x2d: {  	[tilespmem:s1+$0xFFFFFFF0] =	vst v0  }
0x2e: {  	s2 =	simm.s32 $0x0;
	[tilespmem:s1+$0xFFFFFFE0] =	vst v0  }
.LBB2_2:
0x2f: {  	s2 =	sadd.s32 $0x8, s2;
	[tilespmem:s1+$0xFFFFFFD0] =	vst v0;
	s1 =	sadd.s32 $0x80, s1  }
0x30: {  	[tilespmem:s1+$0xFFFFFFC0] =	vst v0;
	p2 =	slt.u32 s2, $0x268  }
0x31: {  	[tilespmem:s1+$0x30] =	vst v0  }
.Ltmp0:
0x32: {  	[tilespmem:s1+$0x20] =	vst v0;
	(pc) =	sbr.rel @p2 .LBB2_2-.Ltmp0, $4  }
0x33: {  	[tilespmem:s1+$0x10] =	vst v0  }
0x34: {  	[tilespmem:s1+$0x0] =	vst v0  }
0x35: {  	[tilespmem:s1+$0xFFFFFFF0] =	vst v0  }
0x36: {  	[tilespmem:s1+$0xFFFFFFE0] =	vst v0  }
.Ltmp1:
0x37: {  	(pc) =	sbr.rel @p0 .LBB2_7-.Ltmp1, $2  }
0x38: {  	_ =	sdelay $0x2  }
0x39: {  	[tilespmem:s1+$0xFFFFFFD0] =	vst v0  }
0x3a: {  	s1 =	simm.s32 $0x18940  }
0x3b: {  	[tilespmem:s1+$0xFFFFFFC0] =	vst v1  }
0x3c: {  	[tilespmem:s1+$0x30] =	vst v1  }
0x3d: {  	[tilespmem:s1+$0x20] =	vst v1  }
0x3e: {  	[tilespmem:s1+$0x10] =	vst v1  }
0x3f: {  	[tilespmem:s1+$0x0] =	vst v1  }
0x40: {  	[tilespmem:s1+$0xFFFFFFF0] =	vst v1  }
0x41: {  	s2 =	simm.s32 $0x0;
	[tilespmem:s1+$0xFFFFFFE0] =	vst v1  }
.LBB2_5:
0x42: {  	s2 =	sadd.s32 $0x8, s2;
	[tilespmem:s1+$0xFFFFFFD0] =	vst v1;
	s1 =	sadd.s32 $0x80, s1  }
0x43: {  	[tilespmem:s1+$0xFFFFFFC0] =	vst v1;
	p2 =	slt.u32 s2, $0x278  }
0x44: {  	[tilespmem:s1+$0x30] =	vst v1  }
.Ltmp2:
0x45: {  	[tilespmem:s1+$0x20] =	vst v1;
	(pc) =	sbr.rel @p2 .LBB2_5-.Ltmp2, $4  }
0x46: {  	[tilespmem:s1+$0x10] =	vst v1  }
0x47: {  	[tilespmem:s1+$0x0] =	vst v1  }
0x48: {  	[tilespmem:s1+$0xFFFFFFF0] =	vst v1  }
0x49: {  	[tilespmem:s1+$0xFFFFFFE0] =	vst v1  }
0x4a: {  	[tilespmem:s1+$0xFFFFFFD0] =	vst v1;
	s29 =	rddreg [dreg:$0x3];
	s2 =	simm.s32 $0x18900  }
0x4b: {  	[spmem:s29] =	stream.linear.scatter [tilespmem:s2], [sflag:$0xC], $0x2800, $0x38;
	[tilespmem:$0x1C000] =	vst v63  }
0x4c: {  	_ =	swait.ge [sflag:s28], $0x2800  }
0x4d: {  	[sflag:s28] =	ssyncset.done $0x0  }
0x4e: {  	[sflag:s28] =	ssyncadd.s32 $0xFFFFD800  }
0x4f: {  	s30 =	rddreg [dreg:$0x4]  }
0x50: {  	[spmem:s30] =	stream.linear.scatter [tilespmem:s2], [sflag:$0xC], $0x2800, $0x38;
	[tilespmem:$0x1C000] =	vst v63  }
0x51: {  	_ =	swait.ge [sflag:s28], $0x2800  }
0x52: {  	[sflag:s28] =	ssyncset.done $0x0  }
0x53: {  	[sflag:s28] =	ssyncadd.s32 $0xFFFFD800  }
.LBB2_7:
0x54: {  	[bflag:$0x0] =	sbarrier.arrive $0xFFFF;
	s1 =	simm.s32 $0x1  }
0x55: {  	_ =	swait.ge [sflag:s1], $0x2700  }
0x56: {  	[sflag:s1] =	ssyncset.done $0x0  }
0x57: {  	[sflag:s1] =	ssyncadd.s32 $0xFFFFD900  }
0x58: {  	s2 =	simm.s32 $0x16200;
	s1 =	rddreg [dreg:$0x3]  }
0x59: {  	[spmem:s1] =	stream.indirect.scatter.add.f32 [tilespmem:s2], [sflag:$0x7], $0x1, s5, s21, $0xb8;
	[tilespmem:$0x1C000] =	vst v63  }
0x5a: {  	_ =	swait.ge [sflag:s31], $0x2700  }
0x5b: {  	[sflag:s31] =	ssyncset.done $0x0  }
0x5c: {  	[sflag:s31] =	ssyncadd.s32 $0xFFFFD900  }
0x5d: {  	[spmem:s1] =	stream.indirect.scatter.add.f32 [tilespmem:s2], [sflag:$0x8], $0x1, s21, s21, $0xb8;
	[tilespmem:$0x1C000] =	vst v63  }
0x5e: {  	_ =	swait.ge [sflag:s3], $0x2800  }
0x5f: {  	[sflag:s3] =	ssyncset.done $0x0  }
0x60: {  	[sflag:s3] =	ssyncadd.s32 $0xFFFFD800  }
0x61: {  	_ =	swait.ge [sflag:s26], $0x2800  }
0x62: {  	[sflag:s26] =	ssyncset.done $0x0  }
0x63: {  	[sflag:s26] =	ssyncadd.s32 $0xFFFFD800  }
0x64: {  	_ =	swait.ge [sflag:s4], $0x2700  }
0x65: {  	[sflag:s4] =	ssyncset.done $0x0  }
0x66: {  	s18 =	simm.s32 $0x20;
	[sflag:s4] =	ssyncadd.s32 $0xFFFFD900  }
0x67: {  	s19 =	simm.s32 $0x4E20;
	v2 =	vld [tilespmem:s18+$0x10]  }
0x68: {  	v3 =	vld [tilespmem:s19+$0x10]  }
0x69: {  	v4 =	vld [tilespmem:s19+$0xFFFFFFE0]  }
0x6a: {  	v5 =	vld [tilespmem:s18+$0xFFFFFFF0]  }
0x6b: {  	v6 =	vld [tilespmem:s19+$0xFFFFFFF0]  }
0x6c: {  	v7 =	vld [tilespmem:s18+$0x0]  }
0x6d: {  	v8 =	vld [tilespmem:s19+$0x0]  }
0x6e: {  	s29 =	simm.s32 $0x4E60;
	v9 =	vld [tilespmem:s18+$0xFFFFFFE0]  }
0x6f: {  	v10 =	vld [tilespmem:s29+$0x10]  }
0x70: {  	v11 =	vld [tilespmem:s29+$0xFFFFFFE0]  }
0x71: {  	v2 =	vld.idx.msk [tilespmem:v2+s23+$0x0], $0xffff  }
0x72: {  	v3 =	vld.idx.msk [tilespmem:v3+s24+$0x0], $0xffff  }
0x73: {  	v5 =	vld.idx.msk [tilespmem:v5+s23+$0x0], $0xffff  }
0x74: {  	v6 =	vld.idx.msk [tilespmem:v6+s24+$0x0], $0xffff  }
0x75: {  	v4 =	vld.idx.msk [tilespmem:v4+s24+$0x0], $0xffff  }
0x76: {  	v7 =	vld.idx.msk [tilespmem:v7+s23+$0x0], $0xffff  }
0x77: {  	s20 =	simm.s32 $0x60;
	v8 =	vld.idx.msk [tilespmem:v8+s24+$0x0], $0xffff;
	v2 =	vadd.f32 v3, v2  }
0x78: {  	v3 =	vld [tilespmem:s20+$0x10]  }
0x79: {  	v9 =	vld.idx.msk [tilespmem:v9+s23+$0x0], $0xffff;
	v5 =	vadd.f32 v6, v5;
	v2 =	vsub.f32 $0.0e+00, v2  }
0x7a: {  	v12 =	vld [tilespmem:s29+$0xFFFFFFF0]  }
0x7b: {  	v13 =	vld [tilespmem:s20+$0x0];
	v5 =	vsub.f32 $0.0e+00, v5;
	v2 =	vmul.f32 $1.442695020e+00, v2  }
0x7c: {  	v14 =	vld [tilespmem:s20+$0xFFFFFFE0]  }
0x7d: {  	v6 =	vld [tilespmem:s20+$0xFFFFFFF0];
	v7 =	vadd.f32 v8, v7;
	v5 =	vmul.f32 $1.442695020e+00, v5;
	(erf) = vpow2.f32 v2  }
0x7e: {  	v4 =	vadd.f32 v4, v9;
	v2 =	vld [tilespmem:s29+$0x0]  }
0x7f: {  	v7 =	vsub.f32 $0.0e+00, v7;
	(erf) = vpow2.f32 v5;
	v5 =	vld.idx.msk [tilespmem:v10+s24+$0x0], $0xffff  }
0x80: {  	v4 =	vsub.f32 $0.0e+00, v4;
	v3 =	vld.idx.msk [tilespmem:v3+s23+$0x0], $0xffff  }
0x81: {  	v8 =	vld.idx.msk [tilespmem:v11+s24+$0x0], $0xffff;
	v7 =	vmul.f32 $1.442695020e+00, v7  }
0x82: {  	s6 =	simm.s32 $0x4EA0;
	v9 =	vld.idx.msk [tilespmem:v12+s24+$0x0], $0xffff;
	v4 =	vmul.f32 $1.442695020e+00, v4  }
0x83: {  	v11 =	vld [tilespmem:s6+$0x10];
	(erf) = vpow2.f32 v7  }
0x84: {  	s30 =	simm.s32 $0xA0;
	v10 =	vld.idx.msk [tilespmem:v13+s23+$0x0], $0xffff;
	(erf) = vpow2.f32 v4  }
0x85: {  	v3 =	vadd.f32 v5, v3;
	v5 =	vld [tilespmem:s30+$0x10]  }
0x86: {  	v6 =	vld.idx.msk [tilespmem:v6+s23+$0x0], $0xffff;
	v4 =	vpop (erf)  }
0x87: {  	v7 =	vld.idx.msk [tilespmem:v14+s23+$0x0], $0xffff;
	v4 =	vadd.f32 $1.000000000e+00, v4  }
0x88: {  	v2 =	vld.idx.msk [tilespmem:v2+s24+$0x0], $0xffff;
	v3 =	vsub.f32 $0.0e+00, v3;
	v59 =	vpop (erf)  }
0x89: {  	v12 =	vadd.f32 $1.000000000e+00, v59;
	(erf) = vrcp.f32 v4;
	v4 =	vld [tilespmem:s6+$0xFFFFFFE0]  }
0x8a: {  	v60 =	vld [tilespmem:s30+$0xFFFFFFF0];
	v3 =	vmul.f32 $1.442695020e+00, v3  }
0x8b: {  	v61 =	vld [tilespmem:s6+$0xFFFFFFF0];
	(erf) = vrcp.f32 v12  }
0x8c: {  	v62 =	vld [tilespmem:s30+$0x0];
	(erf) = vpow2.f32 v3;
	v3 =	vadd.f32 v9, v6;
	v6 =	vpop (erf)  }
0x8d: {  	v2 =	vadd.f32 v2, v10;
	v10 =	vpop (erf);
	v16 =	vld.idx.msk [tilespmem:v5+s23+$0x0], $0xffff;
	v5 =	vadd.f32 v8, v7  }
0x8e: {  	v15 =	vld [tilespmem:s30+$0xFFFFFFE0];
	v3 =	vsub.f32 $0.0e+00, v3;
	v7 =	vadd.f32 $1.000000000e+00, v10  }
0x8f: {  	v9 =	vld [tilespmem:s6+$0x0]  }
0x90: {  	v10 =	vld.idx.msk [tilespmem:v11+s24+$0x0], $0xffff;
	v11 =	vsub.f32 $0.0e+00, v2;
	v8 =	vmul.f32 $1.442695020e+00, v3  }
0x91: {  	v5 =	vsub.f32 $0.0e+00, v5;
	(erf) = vrcp.f32 v7;
	v2 =	vld.idx.msk [tilespmem:v4+s24+$0x0], $0xffff;
	v4 =	vadd.f32 $1.000000000e+00, v6  }
0x92: {  	v11 =	vmul.f32 $1.442695020e+00, v11;
	v7 =	vpop (erf);
	(erf) = vpow2.f32 v8  }
0x93: {  	v63 =	vmul.f32 $1.442695020e+00, v5;
	(erf) = vrcp.f32 v4  }
0x94: {  	(erf) = vpow2.f32 v11  }
0x95: {  	v3 =	vld.idx.msk [tilespmem:v60+s23+$0x0], $0xffff;
	(erf) = vpow2.f32 v63  }
0x96: {  	s1 =	simm.s32 $0xED20;
	v6 =	vld.idx.msk [tilespmem:v61+s24+$0x0], $0xffff;
	v8 =	vsub.f32 $1.000000000e+00, v7  }
0x97: {  	s2 =	simm.s32 $0x11420;
	[tilespmem:s1+$0x10] =	vst v7;
	v4 =	vld.idx.msk [tilespmem:v62+s23+$0x0], $0xffff;
	v7 =	vpop (erf)  }
0x98: {  	v5 =	vld.idx.msk [tilespmem:v9+s24+$0x0], $0xffff;
	v9 =	vpop (erf);
	[tilespmem:s2+$0x10] =	vst v8;
	v8 =	vsub.f32 $1.000000000e+00, v7  }
0x99: {  	s12 =	simm.s32 $0x8;
	s13 =	simm.s32 $0xE0;
	v10 =	vadd.f32 v10, v16;
	[tilespmem:s1+$0xFFFFFFF0] =	vst v7;
	v7 =	vld.idx.msk [tilespmem:v15+s23+$0x0], $0xffff;
	v9 =	vadd.f32 $1.000000000e+00, v9  }
.LBB2_8:
0x9a: {  	v11 =	vld [tilespmem:s13+$0x10];
	s6 =	sadd.s32 $0x40, s6;
	[tilespmem:s2+$0xFFFFFFF0] =	vst v8;
	v8 =	vpop (erf)  }
0x9b: {  	s12 =	sadd.s32 $0x4, s12;
	v12 =	vld [tilespmem:s6+$0x10];
	v10 =	vsub.f32 $0.0e+00, v10;
	v13 =	vpop (erf);
	(erf) = vrcp.f32 v9;
	[tilespmem:s1+$0xFFFFFFE0] =	vst v8;
	v8 =	vsub.f32 $1.000000000e+00, v8  }
0x9c: {  	p2 =	slt.u32 s12, $0x26C;
	v3 =	vadd.f32 v6, v3;
	v9 =	vld [tilespmem:s6+$0xFFFFFFE0];
	v6 =	vadd.f32 $1.000000000e+00, v13;
	v13 =	vpop (erf)  }
0x9d: {  	v14 =	vld [tilespmem:s13+$0xFFFFFFF0];
	v10 =	vmul.f32 $1.442695020e+00, v10;
	v15 =	vpop (erf);
	[tilespmem:s2+$0xFFFFFFE0] =	vst v8;
	v8 =	vsub.f32 $1.000000000e+00, v13  }
0x9e: {  	v3 =	vsub.f32 $0.0e+00, v3;
	v4 =	vadd.f32 v5, v4;
	v16 =	vld [tilespmem:s6+$0xFFFFFFF0];
	v5 =	vpop (erf);
	(erf) = vrcp.f32 v6;
	[tilespmem:s1+$0x0] =	vst v13  }
0x9f: {  	v2 =	vadd.f32 v2, v7;
	v13 =	vld [tilespmem:s13+$0x0];
	(erf) = vpow2.f32 v10;
	v5 =	vadd.f32 $1.000000000e+00, v5;
	[tilespmem:s2+$0x0] =	vst v8  }
0xa0: {  	v6 =	vadd.f32 $1.000000000e+00, v15;
	v3 =	vmul.f32 $1.442695020e+00, v3;
	v4 =	vsub.f32 $0.0e+00, v4;
	v7 =	vld [tilespmem:s6+$0x0]  }
0xa1: {  	v2 =	vsub.f32 $0.0e+00, v2;
	v10 =	vld [tilespmem:s13+$0xFFFFFFE0];
	(erf) = vrcp.f32 v5  }
0xa2: {  	v8 =	vmul.f32 $1.442695020e+00, v4;
	v11 =	vld.idx.msk [tilespmem:v11+s23+$0x0], $0xffff;
	(erf) = vpow2.f32 v3  }
0xa3: {  	v5 =	vmul.f32 $1.442695020e+00, v2;
	v12 =	vld.idx.msk [tilespmem:v12+s24+$0x0], $0xffff;
	(erf) = vrcp.f32 v6  }
0xa4: {  	v2 =	vld.idx.msk [tilespmem:v9+s24+$0x0], $0xffff;
	(erf) = vpow2.f32 v8;
	v4 =	vpop (erf)  }
.Ltmp3:
0xa5: {  	s1 =	sadd.s32 $0x40, s1;
	v3 =	vld.idx.msk [tilespmem:v14+s23+$0x0], $0xffff;
	(erf) = vpow2.f32 v5;
	v5 =	vsub.f32 $1.000000000e+00, v4;
	(pc) =	sbr.rel @p2 .LBB2_8-.Ltmp3, $4  }
0xa6: {  	s2 =	sadd.s32 $0x40, s2;
	v6 =	vld.idx.msk [tilespmem:v16+s24+$0x0], $0xffff;
	[tilespmem:s1+$0x10] =	vst v4  }
0xa7: {  	v4 =	vld.idx.msk [tilespmem:v13+s23+$0x0], $0xffff;
	[tilespmem:s2+$0x10] =	vst v5;
	v8 =	vpop (erf)  }
0xa8: {  	v5 =	vld.idx.msk [tilespmem:v7+s24+$0x0], $0xffff;
	v9 =	vpop (erf);
	[tilespmem:s1+$0xFFFFFFF0] =	vst v8;
	v8 =	vsub.f32 $1.000000000e+00, v8  }
0xa9: {  	s13 =	sadd.s32 $0x40, s13;
	v7 =	vld.idx.msk [tilespmem:v10+s23+$0x0], $0xffff;
	v10 =	vadd.f32 v12, v11;
	v9 =	vadd.f32 $1.000000000e+00, v9  }
0xaa: {  	v11 =	vpop (erf)  }
0xab: {  	v12 =	vpop (erf)  }
0xac: {  	v10 =	vsub.f32 $0.0e+00, v10;
	v3 =	vadd.f32 v6, v3;
	v6 =	vpop (erf)  }
0xad: {  	(erf) = vrcp.f32 v9;
	v9 =	vadd.f32 $1.000000000e+00, v12;
	v12 =	vpop (erf)  }
0xae: {  	v10 =	vmul.f32 $1.442695020e+00, v10;
	v3 =	vsub.f32 $0.0e+00, v3;
	v4 =	vadd.f32 v5, v4;
	v5 =	vpop (erf)  }
0xaf: {  	(erf) = vrcp.f32 v9;
	v2 =	vadd.f32 v2, v7;
	v5 =	vadd.f32 $1.000000000e+00, v5  }
0xb0: {  	(erf) = vpow2.f32 v10;
	v3 =	vmul.f32 $1.442695020e+00, v3;
	v4 =	vsub.f32 $0.0e+00, v4  }
0xb1: {  	v7 =	vadd.f32 $1.000000000e+00, v12;
	v2 =	vsub.f32 $0.0e+00, v2;
	(erf) = vrcp.f32 v5  }
0xb2: {  	v4 =	vmul.f32 $1.442695020e+00, v4;
	(erf) = vpow2.f32 v3  }
0xb3: {  	v2 =	vmul.f32 $1.442695020e+00, v2;
	(erf) = vrcp.f32 v7  }
0xb4: {  	(erf) = vpow2.f32 v4  }
0xb5: {  	(erf) = vpow2.f32 v2;
	_ =	sdelay $0x1  }
0xb6: {  	v2 =	vpop (erf)  }
0xb7: {  	v3 =	vpop (erf)  }
0xb8: {  	v4 =	vpop (erf)  }
0xb9: {  	v5 =	vpop (erf)  }
0xba: {  	[tilespmem:s2+$0xFFFFFFF0] =	vst v8;
	v7 =	vsub.f32 $1.000000000e+00, v11;
	v4 =	vadd.f32 $1.000000000e+00, v4;
	v8 =	vpop (erf)  }
0xbb: {  	[tilespmem:s1+$0xFFFFFFE0] =	vst v11;
	v9 =	vpop (erf)  }
0xbc: {  	[tilespmem:s2+$0xFFFFFFE0] =	vst v7;
	v7 =	vsub.f32 $1.000000000e+00, v6;
	(erf) = vrcp.f32 v4;
	v4 =	vadd.f32 $1.000000000e+00, v8;
	v8 =	vpop (erf)  }
0xbd: {  	[tilespmem:s1+$0x0] =	vst v6;
	v6 =	vpop (erf)  }
0xbe: {  	s14 =	sadd.s32 $0x40, s1;
	[tilespmem:s2+$0x0] =	vst v7;
	(erf) = vrcp.f32 v4;
	v4 =	vadd.f32 $1.000000000e+00, v6  }
0xbf: {  	v7 =	vsub.f32 $1.000000000e+00, v2;
	[tilespmem:s14+$0x10] =	vst v2  }
0xc0: {  	s15 =	sadd.s32 $0x40, s2;
	v2 =	vsub.f32 $1.000000000e+00, v3;
	[tilespmem:s14+$0xFFFFFFF0] =	vst v3;
	v6 =	vadd.f32 $1.000000000e+00, v8;
	(erf) = vrcp.f32 v4  }
0xc1: {  	[tilespmem:s15+$0x10] =	vst v7  }
0xc2: {  	[tilespmem:s15+$0xFFFFFFF0] =	vst v2;
	v2 =	vsub.f32 $1.000000000e+00, v5;
	(erf) = vrcp.f32 v6  }
0xc3: {  	[tilespmem:s14+$0xFFFFFFE0] =	vst v5  }
0xc4: {  	[tilespmem:s15+$0xFFFFFFE0] =	vst v2;
	v2 =	vsub.f32 $1.000000000e+00, v9  }
0xc5: {  	[tilespmem:s14+$0x0] =	vst v9;
	v3 =	vpop (erf)  }
0xc6: {  	s1 =	sadd.s32 $0x40, s14;
	[tilespmem:s15+$0x0] =	vst v2;
	v2 =	vsub.f32 $1.000000000e+00, v3  }
0xc7: {  	s2 =	sadd.s32 $0x40, s15;
	[tilespmem:s1+$0x10] =	vst v3;
	v3 =	vpop (erf)  }
0xc8: {  	[tilespmem:s2+$0x10] =	vst v2;
	v2 =	vsub.f32 $1.000000000e+00, v3  }
0xc9: {  	[tilespmem:s1+$0xFFFFFFF0] =	vst v3;
	v3 =	vpop (erf)  }
0xca: {  	[tilespmem:s2+$0xFFFFFFF0] =	vst v2;
	v2 =	vsub.f32 $1.000000000e+00, v3  }
0xcb: {  	[tilespmem:s1+$0xFFFFFFE0] =	vst v3;
	v3 =	vpop (erf)  }
0xcc: {  	[tilespmem:s2+$0xFFFFFFE0] =	vst v2;
	v2 =	vsub.f32 $1.000000000e+00, v3  }
0xcd: {  	[tilespmem:s1+$0x0] =	vst v3  }
0xce: {  	[tilespmem:s2+$0x0] =	vst v2  }
0xcf: {  	s16 =	simm.s32 $0xED00;
	s1 =	rddreg [dreg:$0xc]  }
0xd0: {  	[hbm4b:s1+s5] =	stream.linear.scatter [tilespmem:s16], [sflag:$0xA], $0x2700, $0x38;
	[tilespmem:$0x1C000] =	vst v63  }
0xd1: {  	s18 =	simm.s32 $0x11400;
	s17 =	rddreg [dreg:$0xd]  }
0xd2: {  	[hbm4b:s17+s5] =	stream.linear.scatter [tilespmem:s18], [sflag:$0xB], $0x2700, $0x38;
	[tilespmem:$0x1C000] =	vst v63  }
0xd3: {  	_ =	swait.ge [sflag:s25], $0x2700  }
0xd4: {  	[sflag:s25] =	ssyncset.done $0x0  }
0xd5: {  	[sflag:s25] =	ssyncadd.s32 $0xFFFFD900  }
0xd6: {  	_ =	swait.ge [sflag:s0], $0x2700  }
0xd7: {  	[sflag:s0] =	ssyncset.done $0x0  }
0xd8: {  	[sflag:s0] =	ssyncadd.s32 $0xFFFFD900  }
0xd9: {  	[bflag:$0x0] =	sbarrier.arrive $0xFFFF  }
0xda: {  	s20 =	simm.s32 $0x1B100;
	s19 =	rddreg [dreg:$0xe]  }
0xdb: {  	[tilespmem:s20], [sflag:$0xC] =	stream.linear.gather [spmem:s19], $0x280, $0x38;
	[tilespmem:$0x1C000] =	vst v63  }
0xdc: {  	_ =	swait.ge [sflag:s28], $0x280  }
0xdd: {  	[sflag:s28] =	ssyncset.done $0x0  }
0xde: {  	[sflag:s28] =	ssyncadd.s32 $0xFFFFFD80  }
0xdf: {  	_ =	swait.ge [sflag:s7], $0x280  }
0xe0: {  	[sflag:s7] =	ssyncset.done $0x0  }
0xe1: {  	s14 =	simm.s32 $0x1B120;
	[sflag:s7] =	ssyncadd.s32 $0xFFFFFD80  }
0xe2: {  	v2 =	vld [tilespmem:s14+$0x0]  }
0xe3: {  	v3 =	vld [tilespmem:s14+$0xFFFFFFE0];
	_ =	sdelay $0x3  }
0xe4: {  	v2 =	vadd.f32 $1.000000000e+00, v2  }
0xe5: {  	v3 =	vadd.f32 $1.000000000e+00, v3  }
0xe6: {  	v5 =	vld [tilespmem:s14+$0x10];
	v4 =	vshrl.u32 v2, $0x1;
	v6 =	vmul.f32 $-5.000000000e-01, v2  }
0xe7: {  	v2 =	vshrl.u32 v3, $0x1;
	v7 =	vmul.f32 $-5.000000000e-01, v3;
	v3 =	vsub.s32 $0x5F3759DF, v4  }
0xe8: {  	v2 =	vsub.s32 $0x5F3759DF, v2;
	v8 =	vmul.f32 v3, v6  }
0xe9: {  	v9 =	vmul.f32 v2, v7  }
0xea: {  	v8 =	vmul.f32 v3, v8  }
0xeb: {  	v5 =	vadd.f32 $1.000000000e+00, v5;
	v4 =	vld [tilespmem:s14+$0xFFFFFFF0];
	v9 =	vmul.f32 v2, v9  }
0xec: {  	v10 =	vadd.f32 $1.500000000e+00, v8  }
0xed: {  	v11 =	vshrl.u32 v5, $0x1;
	v9 =	vadd.f32 $1.500000000e+00, v9;
	v8 =	vmul.f32 $-5.000000000e-01, v5  }
0xee: {  	s12 =	simm.s32 $0x1B160;
	v5 =	vsub.s32 $0x5F3759DF, v11;
	v3 =	vmul.f32 v3, v10  }
0xef: {  	v12 =	vld [tilespmem:s12+$0x0];
	v2 =	vmul.f32 v2, v9;
	v9 =	vmul.f32 v5, v8  }
0xf0: {  	v4 =	vadd.f32 $1.000000000e+00, v4;
	v10 =	vld [tilespmem:s12+$0x10];
	v11 =	vmul.f32 v3, v6  }
0xf1: {  	v16 =	vld [tilespmem:s12+$0xFFFFFFF0];
	v13 =	vmul.f32 v2, v7;
	v9 =	vmul.f32 v5, v9  }
0xf2: {  	v15 =	vld [tilespmem:s12+$0xFFFFFFE0];
	v17 =	vmul.f32 $-5.000000000e-01, v4;
	v4 =	vshrl.u32 v4, $0x1;
	v11 =	vmul.f32 v11, v3  }
0xf3: {  	v4 =	vsub.s32 $0x5F3759DF, v4;
	v13 =	vmul.f32 v13, v2;
	v9 =	vadd.f32 $1.500000000e+00, v9  }
0xf4: {  	v14 =	vmul.f32 v4, v17;
	v11 =	vadd.f32 $1.500000000e+00, v11  }
0xf5: {  	v13 =	vadd.f32 $1.500000000e+00, v13;
	v9 =	vmul.f32 v5, v9;
	v5 =	vadd.f32 $1.000000000e+00, v10  }
0xf6: {  	v14 =	vmul.f32 v4, v14;
	v10 =	vadd.f32 $1.000000000e+00, v12;
	v12 =	vadd.f32 $1.000000000e+00, v16  }
0xf7: {  	v11 =	vmul.f32 v11, v3;
	v13 =	vmul.f32 v13, v2;
	v2 =	vadd.f32 $1.000000000e+00, v15  }
0xf8: {  	v15 =	vshrl.u32 v5, $0x1;
	v16 =	vshrl.u32 v10, $0x1;
	v10 =	vmul.f32 $-5.000000000e-01, v10  }
0xf9: {  	v3 =	vmul.f32 $-5.000000000e-01, v5;
	v18 =	vshrl.u32 v2, $0x1;
	v19 =	vmul.f32 $-5.000000000e-01, v2  }
0xfa: {  	v25 =	vmul.f32 v9, v8;
	v5 =	vsub.s32 $0x5F3759DF, v16;
	v16 =	vsub.s32 $0x5F3759DF, v18  }
0xfb: {  	v15 =	vsub.s32 $0x5F3759DF, v15;
	v18 =	vmul.f32 v5, v10;
	v20 =	vmul.f32 v16, v19  }
0xfc: {  	v2 =	vmul.f32 $-5.000000000e-01, v12;
	v21 =	vmul.f32 v15, v3  }
0xfd: {  	v18 =	vmul.f32 v5, v18;
	v20 =	vmul.f32 v16, v20  }
0xfe: {  	v22 =	vmul.f32 v11, v6;
	v6 =	vshrl.u32 v12, $0x1;
	v12 =	vadd.f32 $1.500000000e+00, v14  }
0xff: {  	v14 =	vsub.s32 $0x5F3759DF, v6;
	v6 =	vadd.f32 $1.500000000e+00, v18;
	v18 =	vadd.f32 $1.500000000e+00, v20  }
0x100: {  	v26 =	vmul.f32 v13, v7;
	v23 =	vmul.f32 v4, v12  }
0x101: {  	s13 =	simm.s32 $0x1B1A0;
	v5 =	vmul.f32 v5, v6;
	v12 =	vmul.f32 v16, v18  }
0x102: {  	v25 =	vmul.f32 v25, v9;
	v6 =	vmul.f32 v15, v21;
	v18 =	vld [tilespmem:s13+$0x10]  }
0x103: {  	v21 =	vld [tilespmem:s13+$0x0];
	v20 =	vmul.f32 v5, v10;
	v24 =	vmul.f32 v12, v19  }
0x104: {  	v27 =	vld [tilespmem:s13+$0xFFFFFFF0];
	v4 =	vmul.f32 v14, v2;
	v26 =	vmul.f32 v26, v13  }
0x105: {  	v6 =	vadd.f32 $1.500000000e+00, v6;
	v7 =	vmul.f32 v20, v5;
	v20 =	vmul.f32 v24, v12;
	v24 =	vld [tilespmem:s13+$0xFFFFFFE0]  }
0x106: {  	v28 =	vmul.f32 v14, v4;
	v16 =	vmul.f32 v23, v17  }
0x107: {  	v6 =	vmul.f32 v15, v6;
	v4 =	vadd.f32 $1.500000000e+00, v7;
	v18 =	vadd.f32 $1.000000000e+00, v18  }
0x108: {  	v15 =	vmul.f32 v22, v11;
	v7 =	vadd.f32 $1.500000000e+00, v20;
	v20 =	vadd.f32 $1.000000000e+00, v21  }
0x109: {  	v21 =	vadd.f32 $1.000000000e+00, v27;
	v29 =	vmul.f32 v4, v5;
	v5 =	vmul.f32 $-5.000000000e-01, v18  }
0x10a: {  	v7 =	vmul.f32 v7, v12;
	v12 =	vshrl.u32 v18, $0x1;
	v24 =	vadd.f32 $1.000000000e+00, v24  }
0x10b: {  	v22 =	vshrl.u32 v20, $0x1;
	v27 =	vmul.f32 $-5.000000000e-01, v20;
	v18 =	vsub.s32 $0x5F3759DF, v12  }
0x10c: {  	v22 =	vsub.s32 $0x5F3759DF, v22;
	v20 =	vshrl.u32 v24, $0x1;
	v12 =	vmul.f32 $-5.000000000e-01, v24  }
0x10d: {  	v16 =	vmul.f32 v16, v23;
	v30 =	vmul.f32 v22, v27;
	v20 =	vsub.s32 $0x5F3759DF, v20  }
0x10e: {  	s15 =	simm.s32 $0x1B1E0;
	v15 =	vadd.f32 $1.500000000e+00, v15;
	v4 =	vmul.f32 $-5.000000000e-01, v21;
	v31 =	vmul.f32 v20, v12  }
0x10f: {  	v36 =	vld [tilespmem:s15+$0xFFFFFFF0];
	v32 =	vmul.f32 v29, v10;
	v10 =	vadd.f32 $1.500000000e+00, v28;
	v28 =	vmul.f32 v22, v30  }
0x110: {  	v21 =	vshrl.u32 v21, $0x1;
	v19 =	vmul.f32 v7, v19;
	v30 =	vmul.f32 v20, v31  }
0x111: {  	v24 =	vmul.f32 v18, v5;
	v10 =	vmul.f32 v14, v10;
	v14 =	vadd.f32 $1.500000000e+00, v28  }
0x112: {  	v31 =	vsub.s32 $0x5F3759DF, v21;
	v21 =	vmul.f32 v15, v11;
	v11 =	vadd.f32 $1.500000000e+00, v30  }
0x113: {  	v24 =	vmul.f32 v18, v24;
	v14 =	vmul.f32 v22, v14  }
0x114: {  	s18 =	simm.s32 $0x1B3A0;
	v56 =	vadd.f32 $1.000000000e+00, v36;
	v28 =	vmul.f32 v31, v4;
	[tilespmem:s14+$0x0] =	vst v21;
	v22 =	vmul.f32 v20, v11  }
0x115: {  	v25 =	vadd.f32 $1.500000000e+00, v25;
	v33 =	vld [tilespmem:s18+$0x0];
	v34 =	vmul.f32 v14, v27;
	v11 =	vmul.f32 v10, v2  }
0x116: {  	v24 =	vadd.f32 $1.500000000e+00, v24;
	v30 =	vmul.f32 v6, v3;
	v20 =	vld [tilespmem:s15+$0x10];
	v35 =	vmul.f32 v22, v12  }
0x117: {  	v55 =	vld [tilespmem:s15+$0xFFFFFFE0];
	v34 =	vmul.f32 v34, v14;
	v15 =	vmul.f32 v11, v10;
	v11 =	vadd.f32 $1.500000000e+00, v26  }
0x118: {  	v37 =	vadd.f32 $1.500000000e+00, v16;
	v38 =	vmul.f32 v31, v28;
	v26 =	vld [tilespmem:s15+$0x0];
	v35 =	vmul.f32 v35, v22  }
0x119: {  	v28 =	vadd.f32 $1.500000000e+00, v34;
	v16 =	vmul.f32 v11, v13;
	v11 =	vmul.f32 v18, v24  }
0x11a: {  	v60 =	vadd.f32 $1.500000000e+00, v38;
	v18 =	vmul.f32 v32, v29;
	v33 =	vmul.f32 v21, v33  }
0x11b: {  	v24 =	vadd.f32 $1.000000000e+00, v20;
	v13 =	vmul.f32 v28, v14;
	v20 =	vmul.f32 v25, v9  }
0x11c: {  	v25 =	vmul.f32 v37, v23;
	v23 =	vadd.f32 $1.000000000e+00, v55;
	v54 =	vadd.f32 $1.500000000e+00, v35  }
0x11d: {  	v57 =	vadd.f32 $1.500000000e+00, v18;
	v28 =	vadd.f32 $1.000000000e+00, v26;
	v9 =	vmul.f32 $-5.000000000e-01, v24  }
0x11e: {  	v21 =	vshrl.u32 v24, $0x1;
	v26 =	vmul.f32 v30, v6;
	v30 =	vmul.f32 v25, v17  }
0x11f: {  	v14 =	vmul.f32 v54, v22;
	v22 =	vmul.f32 v20, v8;
	v21 =	vsub.s32 $0x5F3759DF, v21  }
0x120: {  	v8 =	vmul.f32 $-5.000000000e-01, v56;
	v24 =	vshrl.u32 v28, $0x1;
	v39 =	vmul.f32 v21, v9  }
0x121: {  	v18 =	vmul.f32 $-5.000000000e-01, v28;
	v28 =	vshrl.u32 v23, $0x1;
	v23 =	vmul.f32 $-5.000000000e-01, v23  }
0x122: {  	v61 =	vmul.f32 v30, v25;
	v58 =	vmul.f32 v22, v20;
	v24 =	vsub.s32 $0x5F3759DF, v24  }
0x123: {  	v22 =	vmul.f32 v13, v27;
	v32 =	vsub.s32 $0x5F3759DF, v28;
	v59 =	vmul.f32 v24, v18  }
0x124: {  	s19 =	simm.s32 $0x1B620;
	v27 =	vshrl.u32 v56, $0x1;
	v28 =	vmul.f32 v19, v7;
	v19 =	vmul.f32 v32, v23  }
0x125: {  	[tilespmem:s19+$0x0] =	vst v33;
	v17 =	vsub.s32 $0x5F3759DF, v27;
	v33 =	vmul.f32 v21, v39;
	v27 =	vmul.f32 v24, v59  }
0x126: {  	v62 =	vmul.f32 v32, v19;
	v19 =	vmul.f32 v31, v60  }
0x127: {  	s30 =	simm.s32 $0x1B660;
	s6 =	simm.s32 $0x1B3E0;
	v36 =	vadd.f32 $1.500000000e+00, v61;
	v63 =	vadd.f32 $1.500000000e+00, v27;
	v27 =	vmul.f32 v57, v29  }
0x128: {  	s29 =	simm.s32 $0x1B220;
	s2 =	simm.s32 $0x1B420;
	s16 =	simm.s32 $0x1B6A0;
	[tilespmem:s14+$0xFFFFFFE0] =	vst v16;
	v31 =	vmul.f32 v17, v8;
	v37 =	vadd.f32 $1.500000000e+00, v62;
	v35 =	vmul.f32 v19, v4  }
0x129: {  	s1 =	simm.s32 $0x1B420;
	s17 =	simm.s32 $0x1B6A0;
	s20 =	simm.s32 $0xC;
	v34 =	vld [tilespmem:s18+$0xFFFFFFE0];
	v30 =	vadd.f32 $1.500000000e+00, v58;
	v29 =	vmul.f32 v24, v63;
	v24 =	vmul.f32 v11, v5;
	[tilespmem:s12+$0x0] =	vst v27  }
.LBB2_10:
0x12a: {  	s20 =	sadd.s32 $0x4, s20;
	v32 =	vmul.f32 v32, v37;
	v37 =	vmul.f32 v14, v12;
	s16 =	sadd.s32 $0x40, s16;
	s1 =	sadd.s32 $0x40, s1;
	v38 =	vld [tilespmem:s6+$0x0];
	v12 =	vmov v23  }
0x12b: {  	v35 =	vmul.f32 v35, v19;
	v28 =	vadd.f32 $1.500000000e+00, v28;
	v23 =	vld [tilespmem:s29+$0x10];
	p2 =	slt.u32 s20, $0x24;
	v39 =	vmul.f32 v29, v18  }
0x12c: {  	v26 =	vadd.f32 $1.500000000e+00, v26;
	v36 =	vmul.f32 v36, v25;
	v40 =	vld [tilespmem:s29+$0x0];
	v41 =	vmul.f32 v32, v12  }
0x12d: {  	v33 =	vadd.f32 $1.500000000e+00, v33;
	v30 =	vmul.f32 v30, v20;
	v25 =	vld [tilespmem:s29+$0xFFFFFFF0];
	v39 =	vmul.f32 v39, v29  }
0x12e: {  	v20 =	vmul.f32 v41, v32;
	v41 =	vadd.f32 $1.500000000e+00, v15;
	v34 =	vmul.f32 v16, v34;
	v15 =	vmovc v35  }
0x12f: {  	v31 =	vmul.f32 v17, v31;
	v16 =	vmul.f32 v28, v7;
	v7 =	vmovc v14;
	v35 =	vadd.f32 $1.500000000e+00, v39  }
0x130: {  	v22 =	vmul.f32 v22, v13;
	v21 =	vmul.f32 v21, v33;
	v28 =	vld [tilespmem:s29+$0xFFFFFFE0];
	v14 =	vadd.f32 $1.500000000e+00, v20;
	[tilespmem:s14+$0xFFFFFFF0] =	vst v36  }
0x131: {  	v23 =	vadd.f32 $1.000000000e+00, v23;
	v20 =	vmul.f32 v26, v6;
	v6 =	vmovc v11;
	v29 =	vmul.f32 v35, v29;
	v33 =	vld [tilespmem:s18+$0xFFFFFFF0];
	[tilespmem:s14+$0x10] =	vst v30;
	s14 =	smov.u32 s12;
	s12 =	smov.u32 s13;
	s13 =	smov.u32 s15  }
0x132: {  	v26 =	vmul.f32 v27, v38;
	v11 =	vmovc v21;
	v35 =	vadd.f32 $1.000000000e+00, v40;
	v14 =	vmul.f32 v14, v32;
	[tilespmem:s19+$0xFFFFFFE0] =	vst v34;
	v27 =	vld [tilespmem:s18+$0x10];
	s18 =	smov.u32 s6;
	s6 =	smov.u32 s2;
	s2 =	smov.u32 s1  }
0x133: {  	s15 =	smov.u32 s29;
	v32 =	vadd.f32 $1.000000000e+00, v25;
	v21 =	vshrl.u32 v23, $0x1;
	v25 =	vmul.f32 v20, v3;
	v3 =	vmovc v5;
	v5 =	vmovc v9;
	[tilespmem:s14+$0xFFFFFFE0] =	vst v16  }
0x134: {  	v38 =	vadd.f32 $1.500000000e+00, v22;
	v9 =	vmul.f32 $-5.000000000e-01, v23;
	v34 =	vshrl.u32 v35, $0x1;
	[tilespmem:s30+$0x0] =	vst v26  }
0x135: {  	v21 =	vsub.s32 $0x5F3759DF, v21;
	v39 =	vmul.f32 $-5.000000000e-01, v32;
	v40 =	vmul.f32 v25, v20  }
0x136: {  	v34 =	vsub.s32 $0x5F3759DF, v34;
	v42 =	vmul.f32 v21, v9;
	v25 =	vmul.f32 v41, v10;
	v10 =	vmovc v19  }
0x137: {  	v22 =	vmul.f32 v29, v18;
	v26 =	vmul.f32 v24, v6;
	v19 =	vadd.f32 $1.000000000e+00, v28  }
0x138: {  	v18 =	vmul.f32 $-5.000000000e-01, v35;
	v24 =	vshrl.u32 v32, $0x1;
	v35 =	vmul.f32 v25, v2;
	v2 =	vmovc v4;
	v4 =	vmovc v8  }
0x139: {  	v28 =	vmul.f32 v37, v7;
	v8 =	vmovc v39;
	v32 =	vshrl.u32 v19, $0x1;
	v23 =	vmul.f32 $-5.000000000e-01, v19  }
0x13a: {  	v19 =	vmul.f32 v34, v18;
	v27 =	vmul.f32 v30, v27;
	v32 =	vsub.s32 $0x5F3759DF, v32  }
0x13b: {  	v31 =	vadd.f32 $1.500000000e+00, v31;
	v33 =	vmul.f32 v36, v33;
	v30 =	vmul.f32 v32, v23  }
.Ltmp4:
0x13c: {  	v24 =	vsub.s32 $0x5F3759DF, v24;
	v39 =	vmul.f32 v35, v25;
	v36 =	vmul.f32 v34, v19;
	[tilespmem:s19+$0x10] =	vst v27;
	(pc) =	sbr.rel @p2 .LBB2_10-.Ltmp4, $4  }
0x13d: {  	v19 =	vmul.f32 v17, v31;
	v17 =	vmovc v24;
	v35 =	vmul.f32 v32, v30;
	v30 =	vadd.f32 $1.500000000e+00, v40;
	[tilespmem:s19+$0xFFFFFFF0] =	vst v33;
	s19 =	smov.u32 s30;
	s30 =	smov.u32 s17;
	s17 =	smov.u32 s16  }
0x13e: {  	v31 =	vmul.f32 v17, v8;
	v24 =	vadd.f32 $1.500000000e+00, v36;
	v27 =	vmul.f32 v38, v13;
	v13 =	vmovc v29  }
0x13f: {  	v37 =	vadd.f32 $1.500000000e+00, v35;
	v33 =	vmul.f32 v21, v42;
	v35 =	vmul.f32 v19, v4  }
0x140: {  	s29 =	sadd.s32 $0x40, s29;
	v36 =	vadd.f32 $1.500000000e+00, v39;
	v29 =	vmul.f32 v34, v24;
	v24 =	vmul.f32 v11, v5;
	[tilespmem:s12+$0x0] =	vst v27;
	v34 =	vld [tilespmem:s18+$0xFFFFFFE0]  }
0x141: {  	v32 =	vmul.f32 v32, v37  }
0x142: {  	v12 =	vmul.f32 v14, v12;
	v35 =	vmul.f32 v35, v19  }
0x143: {  	v28 =	vadd.f32 $1.500000000e+00, v28;
	v20 =	vmul.f32 v30, v20;
	v31 =	vmul.f32 v17, v31  }
0x144: {  	v26 =	vadd.f32 $1.500000000e+00, v26;
	v22 =	vmul.f32 v22, v13;
	v60 =	vmul.f32 v29, v18  }
0x145: {  	v33 =	vadd.f32 $1.500000000e+00, v33;
	v25 =	vmul.f32 v36, v25;
	v45 =	vmul.f32 v24, v11  }
0x146: {  	v15 =	vadd.f32 $1.500000000e+00, v15;
	v38 =	vmul.f32 v32, v23;
	v7 =	vmul.f32 v28, v7  }
0x147: {  	v21 =	vmul.f32 v21, v33;
	v6 =	vmul.f32 v26, v6  }
0x148: {  	v62 =	vld [tilespmem:s6+$0x0];
	v10 =	vmul.f32 v15, v10;
	v12 =	vmul.f32 v12, v14  }
0x149: {  	v46 =	vadd.f32 $1.500000000e+00, v31;
	v61 =	vmul.f32 v60, v29;
	v63 =	vmul.f32 v38, v32  }
0x14a: {  	[tilespmem:s14+$0x10] =	vst v20;
	v22 =	vadd.f32 $1.500000000e+00, v22;
	v16 =	vmul.f32 v16, v34;
	v3 =	vmul.f32 v6, v3  }
0x14b: {  	v42 =	vld [tilespmem:s18+$0x10];
	[tilespmem:s14+$0xFFFFFFF0] =	vst v25;
	v2 =	vmul.f32 v10, v2;
	v47 =	vmul.f32 v17, v46  }
0x14c: {  	v43 =	vld [tilespmem:s18+$0xFFFFFFF0];
	v49 =	vmul.f32 v22, v13;
	v52 =	vmul.f32 v21, v9  }
0x14d: {  	v39 =	vadd.f32 $1.500000000e+00, v61;
	v27 =	vmul.f32 v27, v62;
	v3 =	vmul.f32 v3, v6  }
0x14e: {  	[tilespmem:s12+$0xFFFFFFE0] =	vst v7;
	v40 =	vadd.f32 $1.500000000e+00, v63;
	v2 =	vmul.f32 v2, v10;
	v51 =	vmul.f32 v47, v8  }
0x14f: {  	v50 =	vld [tilespmem:s6+$0xFFFFFFE0];
	v55 =	vmul.f32 v52, v21;
	v41 =	vmul.f32 v39, v29  }
0x150: {  	[tilespmem:s13+$0x0] =	vst v49;
	v28 =	vmul.f32 v40, v32;
	v20 =	vmul.f32 v20, v42;
	v3 =	vadd.f32 $1.500000000e+00, v3  }
0x151: {  	v54 =	vld [tilespmem:s2+$0x0];
	v2 =	vadd.f32 $1.500000000e+00, v2;
	v44 =	vmul.f32 v41, v18;
	v48 =	vmul.f32 v25, v43  }
0x152: {  	v18 =	vadd.f32 $1.500000000e+00, v45;
	v25 =	vmul.f32 v51, v47;
	v53 =	vmul.f32 v28, v23  }
0x153: {  	v2 =	vmul.f32 v2, v10;
	v10 =	vadd.f32 $1.500000000e+00, v12;
	v3 =	vmul.f32 v3, v6  }
0x154: {  	[tilespmem:s19+$0xFFFFFFE0] =	vst v16;
	v7 =	vmul.f32 v7, v50;
	v6 =	vmul.f32 v18, v11;
	v11 =	vadd.f32 $1.500000000e+00, v35  }
0x155: {  	v12 =	vadd.f32 $1.500000000e+00, v55;
	v56 =	vmul.f32 v44, v41;
	v10 =	vmul.f32 v10, v14;
	[tilespmem:s12+$0x10] =	vst v3  }
0x156: {  	[tilespmem:s30+$0x0] =	vst v27;
	v13 =	vmul.f32 v49, v54;
	v57 =	vld [tilespmem:s6+$0x10];
	v11 =	vmul.f32 v11, v19  }
0x157: {  	[tilespmem:s19+$0x10] =	vst v20;
	v58 =	vadd.f32 $1.500000000e+00, v25;
	v12 =	vmul.f32 v12, v21;
	v5 =	vmul.f32 v6, v5  }
0x158: {  	[tilespmem:s19+$0xFFFFFFF0] =	vst v48;
	v59 =	vmul.f32 v53, v28;
	v4 =	vmul.f32 v11, v4  }
0x159: {  	[tilespmem:s12+$0xFFFFFFF0] =	vst v2;
	v16 =	vmul.f32 v58, v47;
	v5 =	vmul.f32 v5, v6  }
0x15a: {  	[tilespmem:s30+$0xFFFFFFE0] =	vst v7;
	v7 =	vadd.f32 $1.500000000e+00, v56;
	v9 =	vmul.f32 v12, v9;
	v4 =	vmul.f32 v4, v11  }
0x15b: {  	[tilespmem:s13+$0xFFFFFFE0] =	vst v10;
	v8 =	vmul.f32 v16, v8;
	v5 =	vadd.f32 $1.500000000e+00, v5;
	v3 =	vmul.f32 v3, v57  }
0x15c: {  	[tilespmem:s17+$0x0] =	vst v13;
	v7 =	vmul.f32 v7, v41;
	v9 =	vmul.f32 v9, v12;
	v4 =	vadd.f32 $1.500000000e+00, v4  }
0x15d: {  	v60 =	vld [tilespmem:s6+$0xFFFFFFF0];
	v5 =	vmul.f32 v5, v6;
	v6 =	vmul.f32 v8, v16;
	[tilespmem:s30+$0x10] =	vst v3;
	v3 =	vadd.f32 $1.500000000e+00, v59  }
0x15e: {  	s1 =	sadd.s32 $0x40, s1;
	[tilespmem:s15+$0x0] =	vst v7;
	v9 =	vadd.f32 $1.500000000e+00, v9;
	v8 =	vld [tilespmem:s2+$0xFFFFFFE0];
	v4 =	vmul.f32 v4, v11  }
0x15f: {  	v11 =	vld [tilespmem:s1+$0x0];
	[tilespmem:s13+$0x10] =	vst v5;
	v6 =	vadd.f32 $1.500000000e+00, v6;
	v3 =	vmul.f32 v3, v28  }
0x160: {  	v9 =	vmul.f32 v9, v12;
	v61 =	vld [tilespmem:s2+$0x10];
	[tilespmem:s13+$0xFFFFFFF0] =	vst v4  }
0x161: {  	v6 =	vmul.f32 v6, v16;
	v62 =	vld [tilespmem:s2+$0xFFFFFFF0];
	[tilespmem:s15+$0xFFFFFFE0] =	vst v3  }
0x162: {  	v2 =	vmul.f32 v2, v60;
	[tilespmem:s15+$0x10] =	vst v9;
	v63 =	vld [tilespmem:s1+$0xFFFFFFE0]  }
0x163: {  	v8 =	vmul.f32 v10, v8;
	v10 =	vld [tilespmem:s1+$0x10];
	[tilespmem:s15+$0xFFFFFFF0] =	vst v6  }
0x164: {  	[tilespmem:s30+$0xFFFFFFF0] =	vst v2;
	v2 =	vmul.f32 v7, v11;
	v7 =	vld [tilespmem:s1+$0xFFFFFFF0]  }
0x165: {  	s18 =	sadd.s32 $0x40, s16;
	[tilespmem:s17+$0xFFFFFFE0] =	vst v8;
	v5 =	vmul.f32 v5, v61  }
0x166: {  	[tilespmem:s18+$0x0] =	vst v2;
	v2 =	vmul.f32 v4, v62  }
0x167: {  	[tilespmem:s17+$0x10] =	vst v5;
	v3 =	vmul.f32 v3, v63  }
0x168: {  	[tilespmem:s17+$0xFFFFFFF0] =	vst v2;
	v2 =	vmul.f32 v9, v10  }
0x169: {  	[tilespmem:s18+$0xFFFFFFE0] =	vst v3;
	v3 =	vmul.f32 v6, v7  }
0x16a: {  	[tilespmem:s18+$0x10] =	vst v2  }
0x16b: {  	[tilespmem:s18+$0xFFFFFFF0] =	vst v3  }
0x16c: {  	s19 =	simm.s32 $0x1B600;
	s1 =	rddreg [dreg:$0xf]  }
0x16d: {  	[spmem:s1] =	stream.linear.scatter [tilespmem:s19], [sflag:$0xC], $0x280, $0x38;
	[tilespmem:$0x1C000] =	vst v63  }
0x16e: {  	_ =	swait.ge [sflag:s28], $0x280  }
0x16f: {  	s2 =	simm.s32 @!p1 $0x1B100;
	[sflag:s28] =	ssyncset.done $0x0  }
0x170: {  	s1 =	simm.s32 @!p1 $0x0;
	s6 =	rddreg [dreg:$0x10];
	[sflag:s28] =	ssyncadd.s32 $0xFFFFFD80  }
0x171: {  	[hbm4b:s6+s1] =	stream.linear.scatter @!p1 [tilespmem:s2], [sflag:$0xC], $0x280, $0x38;
	[tilespmem:$0x1C000] =	vst v63  }
0x172: {  	s2 =	simm.s32 @!p1 $0xC  }
0x173: {  	_ =	swait.ge @!p1 [sflag:s2], $0x280  }
0x174: {  	[sflag:s2] =	ssyncset.done @!p1 $0x0  }
0x175: {  	s6 =	simm.s32 @!p1 $0x1B600;
	s12 =	rddreg [dreg:$0x11];
	[sflag:s2] =	ssyncadd.s32 @!p1 $0xFFFFFD80  }
0x176: {  	[hbm4b:s12+s1] =	stream.linear.scatter @!p1 [tilespmem:s6], [sflag:$0xC], $0x280, $0x38;
	[tilespmem:$0x1C000] =	vst v63  }
0x177: {  	_ =	swait.ge @!p1 [sflag:s2], $0x280  }
0x178: {  	[sflag:s2] =	ssyncset.done @!p1 $0x0  }
0x179: {  	[sflag:s2] =	ssyncadd.s32 @!p1 $0xFFFFFD80  }
0x17a: {  	[bflag:$0x0] =	sbarrier.arrive $0xFFFF  }
0x17b: {  	s20 =	rddreg [dreg:$0x5]  }
0x17c: {  	[tilespmem:s22], [sflag:$0xC] =	stream.linear.gather [spmem:s20], $0x2800, $0x38;
	[tilespmem:$0x1C000] =	vst v63  }
0x17d: {  	_ =	swait.ge [sflag:s28], $0x2800  }
0x17e: {  	[sflag:s28] =	ssyncset.done $0x0  }
0x17f: {  	s29 =	simm.s32 $0x20;
	[sflag:s28] =	ssyncadd.s32 $0xFFFFD800  }
0x180: {  	v2 =	vld [tilespmem:s29+$0x10];
	_ =	sdelay $0x1  }
0x181: {  	v4 =	vld [tilespmem:s29+$0xFFFFFFE0]  }
0x182: {  	v5 =	vld [tilespmem:s29+$0xFFFFFFF0]  }
0x183: {  	s30 =	simm.s32 $0x60;
	v6 =	vld [tilespmem:s29+$0x0]  }
0x184: {  	v9 =	vld [tilespmem:s30+$0x10]  }
0x185: {  	v3 =	vld [tilespmem:s30+$0xFFFFFFF0]  }
0x186: {  	v8 =	vld [tilespmem:s30+$0xFFFFFFE0]  }
0x187: {  	v10 =	vld.idx.msk [tilespmem:v2+s22+$0x0], $0xffff  }
0x188: {  	v2 =	vld [tilespmem:s30+$0x0]  }
0x189: {  	v7 =	vld.idx.msk [tilespmem:v4+s22+$0x0], $0xffff  }
0x18a: {  	v4 =	vld.idx.msk [tilespmem:v5+s22+$0x0], $0xffff  }
0x18b: {  	s1 =	simm.s32 $0x13B20;
	v5 =	vld.idx.msk [tilespmem:v6+s22+$0x0], $0xffff  }
0x18c: {  	s6 =	simm.s32 $0xA0;
	s2 =	simm.s32 $0x4;
	v6 =	vld.idx.msk [tilespmem:v9+s22+$0x0], $0xffff;
	[tilespmem:s1+$0x10] =	vst v10  }
.LBB2_12:
0x18d: {  	v9 =	vld [tilespmem:s6+$0x10];
	s2 =	sadd.s32 $0x4, s2  }
0x18e: {  	v10 =	vld [tilespmem:s6+$0xFFFFFFF0];
	p2 =	slt.u32 s2, $0x26C;
	[tilespmem:s1+$0xFFFFFFE0] =	vst v7  }
0x18f: {  	v11 =	vld [tilespmem:s6+$0x0];
	[tilespmem:s1+$0xFFFFFFF0] =	vst v4  }
0x190: {  	v12 =	vld [tilespmem:s6+$0xFFFFFFE0];
	[tilespmem:s1+$0x0] =	vst v5  }
.Ltmp5:
0x191: {  	s1 =	sadd.s32 $0x40, s1;
	v7 =	vld.idx.msk [tilespmem:v8+s22+$0x0], $0xffff;
	(pc) =	sbr.rel @p2 .LBB2_12-.Ltmp5, $4  }
0x192: {  	v4 =	vld.idx.msk [tilespmem:v3+s22+$0x0], $0xffff;
	[tilespmem:s1+$0x10] =	vst v6  }
0x193: {  	v5 =	vld.idx.msk [tilespmem:v2+s22+$0x0], $0xffff;
	v3 =	vmov v10  }
0x194: {  	v2 =	vmov v11  }
0x195: {  	s6 =	sadd.s32 $0x40, s6;
	v6 =	vld.idx.msk [tilespmem:v9+s22+$0x0], $0xffff;
	v8 =	vmov v12  }
0x196: {  	_ =	sdelay $0x3  }
0x197: {  	v8 =	vld.idx.msk [tilespmem:v8+s22+$0x0], $0xffff  }
0x198: {  	[tilespmem:s1+$0xFFFFFFE0] =	vst v7;
	v3 =	vld.idx.msk [tilespmem:v3+s22+$0x0], $0xffff  }
0x199: {  	v2 =	vld.idx.msk [tilespmem:v2+s22+$0x0], $0xffff;
	[tilespmem:s1+$0xFFFFFFF0] =	vst v4  }
0x19a: {  	s29 =	sadd.s32 $0x40, s1;
	[tilespmem:s1+$0x0] =	vst v5  }
0x19b: {  	[tilespmem:s29+$0x10] =	vst v6  }
0x19c: {  	[tilespmem:s29+$0xFFFFFFE0] =	vst v8  }
0x19d: {  	[tilespmem:s29+$0xFFFFFFF0] =	vst v3  }
0x19e: {  	s15 =	simm.s32 $0x4E00;
	s2 =	simm.s32 $0x13B00;
	s1 =	rddreg [dreg:$0x4];
	[tilespmem:s29+$0x0] =	vst v2  }
0x19f: {  	[spmem:s1] =	stream.indirect.scatter.add.f32 [tilespmem:s2], [sflag:$0x9], $0x1, s15, s21, $0xb8;
	[tilespmem:$0x1C000] =	vst v63  }
0x1a0: {  	_ =	swait.ge [sflag:s8], $0x2700  }
0x1a1: {  	[sflag:s8] =	ssyncset.done $0x0  }
0x1a2: {  	[sflag:s8] =	ssyncadd.s32 $0xFFFFD900  }
0x1a3: {  	_ =	swait.ge [sflag:s9], $0x2700  }
0x1a4: {  	[sflag:s9] =	ssyncset.done $0x0  }
0x1a5: {  	[sflag:s9] =	ssyncadd.s32 $0xFFFFD900  }
0x1a6: {  	_ =	swait.ge [sflag:s10], $0x2700  }
0x1a7: {  	[sflag:s10] =	ssyncset.done $0x0  }
0x1a8: {  	s6 =	simm.s32 @!p0 $0x20;
	[sflag:s10] =	ssyncadd.s32 $0xFFFFD900  }
0x1a9: {  	s12 =	simm.s32 @!p0 $0x10;
	s13 =	simm.s32 @!p0 $0x1C0C;
	[bflag:$0x0] =	sbarrier.arrive $0xFFFF  }
0x1aa: {  	s1 =	sshrl.u32 @!p0 s1, $0x3;
	s2 =	simm.s32 @!p0 $0x1;
	s14 =	rddreg [dreg:$0x12]  }
0x1ab: {  	[hbm:s14@s6], [sflag:s13] =	dma.strided @!p0 [spmem:s1@s12], $0x500, s2, $0x10   }
0x1ac: {  	s1 =	simm.s32 @!p0 $0xC  }
0x1ad: {  	_ =	swait.ge @!p0 [sflag:s1], $0x500  }
0x1ae: {  	s11 =	sadd.s32 $0x1, s11;
	s30 =	rddreg [dreg:$0x13]  }
0x1af: {  	p2 =	sne.s32 s11, s30  }
.Ltmp6:
0x1b0: {  	_ = 	snop;
	(pc) =	sbr.rel @p2 .LBB2_1-.Ltmp6, $3  }
0x1b1: {  	_ =	sdelay $0x1  }
0x1b2: {  	[sflag:s1] =	ssyncset.done @!p0 $0x0  }
0x1b3: {  	[sflag:s1] =	ssyncadd.s32 @!p0 $0xFFFFFB00  }
0x1b4: {  	_ =	sfence.sel $0x180000  }
0x1b5: {  	[bflag:$0x0] =	sbarrier.arrive $0xFFFF  }
0x1b6: {  	_ =	strace $0x90000047  }
0x1b7: {  	[bflag:$0x2] =	sbarrier.arrive $0xFFFF  }
0x1b8: {  	s0 =	rddreg [dreg:$0x6]  }
0x1b9: {  	s0 =	sadd.s32 @!p0 $0x100000, s0  }
0x1ba: {  	[sflag:s0] =	ssyncadd.tile.s32 @!p0 $0x1;
	_ =	shalt  }
.Lfunc_end2:
_tile_overlayer_lowered:
.L_overlay_start_2:
0x1bb: {  	(tag) =	ssettag $0x2  }
0x1bc: {  	s0 =	rddreg [dreg:$0x0];
	s2 =	stileid.u32  }
0x1bd: {  	s1 =	rddreg [dreg:$0x1];
	p0 =	sne.s32 s2, $0x0  }
0x1be: {  	s3 =	rddreg [dreg:$0x2];
	[bflag:$0x3] =	sbarrier.arrive $0xFFFF;
	s2 =	simm.s32 @!p0 $0x1C0C  }
0x1bf: {  	[timem:s3], [sflag:s2] =	dma.local @!p0 [hbm:s0], s1  }
0x1c0: {  	s0 =	simm.s32 @!p0 $0xC  }
0x1c1: {  	_ =	swait.ge @!p0 [sflag:s0], s1  }
0x1c2: {  	s1 =	ssub.s32 @!p0 $0x0, s1;
	[sflag:s0] =	ssyncset.done @!p0 $0x0  }
0x1c3: {  	[sflag:s0] =	ssyncadd.s32 @!p0 s1  }
0x1c4: {  	[bflag:$0x3] =	sbarrier.arrive $0xFFFF  }
0x1c5: {  	_ =	shalt  }

</sc_bundles>
